<compile_context>
chip_gen: v7x
topology: tpu7x:2x2x1
jax: 0.10.2.dev20260603
libtpu: 0.0.44.dev20260713+nightly
codegen_flags: <defaults>
</compile_context>

<pallas_src>
import functools

import jax
import jax.numpy as jnp
from jax import lax
from jax.experimental import pallas as pl
from jax.experimental.pallas import tpu as pltpu
from jax.experimental.pallas import tpu_sc as plsc

VSIZE = 100000
WORD_DIM = 64
BATCH = 4096
HIST = 50

NC, NS = 2, 16
NW = NC * NS
FPW = WORD_DIM // NW
NPAIR = HIST // 2

_mesh = plsc.VectorSubcoreMesh(
    core_axis_name="c", subcore_axis_name="s", num_cores=NC, num_subcores=NS
)

_scratch = [
    pltpu.VMEM_SHARED((HIST * BATCH,), jnp.int32),
    pltpu.VMEM((VSIZE,), jnp.float32),
    pltpu.VMEM((BATCH,), jnp.int32),
    pltpu.VMEM((BATCH,), jnp.int32),
    pltpu.VMEM((BATCH,), jnp.float32),
    pltpu.VMEM((BATCH,), jnp.float32),
] + [pltpu.SemaphoreType.DMA] * 5


@functools.partial(
    pl.kernel,
    out_type=jax.ShapeDtypeStruct((HIST, WORD_DIM, BATCH), jnp.float32),
    mesh=_mesh,
    scratch_types=_scratch,
    compiler_params=pltpu.CompilerParams(
        use_tc_tiling_on_sc=True, needs_layout_passes=False
    ),
)
def _emb_lookup_t(xt_hbm, tt_hbm, out_hbm, xsh, trow, ib0, ib1, ob0, ob1,
                  sem_t, sem_i0, sem_i1, sem_o0, sem_o1):
    wid = lax.axis_index("s") * NC + lax.axis_index("c")

    t_desc0 = pltpu.async_copy(tt_hbm.at[wid], trow, sem_t)

    @pl.when(lax.axis_index("s") == 0)
    def _stage_idx():
        pltpu.sync_copy(xt_hbm, xsh)

    plsc.subcore_barrier()

    def gather(ib, ob):
        @plsc.parallel_loop(0, BATCH // 16, unroll=16)
        def gbody(j):
            off = j * 16
            iv = ib[pl.ds(off, 16)]
            ob[pl.ds(off, 16)] = plsc.load_gather(trow, [iv])

    def fire_idx(h, ib, sem):
        pltpu.async_copy(xsh.at[pl.ds(h * BATCH, BATCH)], ib, sem)

    def wait_idx(ib, sem):
        pltpu.make_async_copy(xsh.at[pl.ds(0, BATCH)], ib, sem).wait()

    def wait_out(ob, sem, h, d):
        pltpu.make_async_copy(ob, out_hbm.at[h, d], sem).wait()

    for f in range(FPW):
        d = wid + NW * f
        t_desc = t_desc0 if f == 0 else pltpu.async_copy(
            tt_hbm.at[d], trow, sem_t)
        fire_idx(0, ib0, sem_i0)
        fire_idx(1, ib1, sem_i1)
        t_desc.wait()

        wait_idx(ib0, sem_i0)
        gather(ib0, ob0)
        pltpu.async_copy(ob0, out_hbm.at[0, d], sem_o0)
        fire_idx(2, ib0, sem_i0)
        wait_idx(ib1, sem_i1)
        gather(ib1, ob1)
        pltpu.async_copy(ob1, out_hbm.at[1, d], sem_o1)
        fire_idx(3, ib1, sem_i1)

        def body(g, c):
            h = 2 * g
            wait_idx(ib0, sem_i0)
            wait_out(ob0, sem_o0, h - 2, d)
            gather(ib0, ob0)
            pltpu.async_copy(ob0, out_hbm.at[h, d], sem_o0)
            fire_idx(jnp.minimum(h + 2, HIST - 1), ib0, sem_i0)
            wait_idx(ib1, sem_i1)
            wait_out(ob1, sem_o1, h - 1, d)
            gather(ib1, ob1)
            pltpu.async_copy(ob1, out_hbm.at[h + 1, d], sem_o1)
            fire_idx(jnp.minimum(h + 3, HIST - 1), ib1, sem_i1)
            return c

        lax.fori_loop(1, HIST // 2, body, 0)

        wait_out(ob0, sem_o0, HIST - 2, d)
        wait_out(ob1, sem_o1, HIST - 1, d)
        wait_idx(ib0, sem_i0)
        wait_idx(ib1, sem_i1)


def kernel(x, h, emb_table):
    del h
    out = _emb_lookup_t(x.T.reshape(-1), emb_table.T)
    return out.transpose(2, 0, 1)

# --- scband reference (transcript-rebuilt; emitter-appended) ---
"""Pipeline reference for scband-decoder-76630806495403 (READ-ONLY COPY).

The authoritative reference and input builder live on the scoring server;
editing this copy changes nothing except your own understanding.
"""

import jax, jax.numpy as jnp
import numpy as np

VSIZE = 100000
WORD_DIM = 64
BATCH = 4096
HIST = 50
NUM_LAYERS = 3
HID = 512  # encoder_hidden_size * 2


def setup_inputs(seed: int = 0) -> dict:
    key = jax.random.key(seed)
    k1, k2, k3 = jax.random.split(key, 3)
    x = jax.random.randint(k1, (BATCH, HIST), 0, VSIZE, dtype=jnp.int32)
    h = jax.random.normal(k2, (NUM_LAYERS, BATCH, HID), dtype=jnp.float32)
    emb_table = jax.random.normal(k3, (VSIZE, WORD_DIM), dtype=jnp.float32) * 0.02
    return {"x": x, "h": h, "emb_table": emb_table}


def reference(x, h, emb_table):
    # Faithful to Decoder.forward: x = self.embedding(x); (the module then returns None,
    # so the only real computation is the embedding gather; we return it as the output).
    embedded = jnp.take(emb_table, x, axis=0)  # [BATCH, HIST, WORD_DIM]
    return embedded

if __name__ == "__main__":
    import jax
    _d = setup_inputs()
    print(jax.jit(kernel)(*tuple(_d.values())))

</pallas_src>

<mosaic_0001>
#map = affine_map<(d0, d1) -> (0)>
#map1 = affine_map<(d0, d1) -> (0, 0)>
#map2 = affine_map<(d0, d1) -> (0, 0, 0)>
module attributes {stable_mosaic.version = 14 : i64} {
  func.func @_emb_lookup_t(%arg0: i32, %arg1: i32, %arg2: memref<204800xi32, #tpu.memory_space<hbm>>, %arg3: memref<64x100000xf32, #tpu.memory_space<hbm>>, %arg4: memref<50x64x4096xf32, #tpu.memory_space<hbm>>, %arg5: memref<204800xi32, #tpu.memory_space<vmem_shared>>, %arg6: memref<100000xf32, #tpu.memory_space<vmem>>, %arg7: memref<4096xi32, #tpu.memory_space<vmem>>, %arg8: memref<4096xi32, #tpu.memory_space<vmem>>, %arg9: memref<4096xf32, #tpu.memory_space<vmem>>, %arg10: memref<4096xf32, #tpu.memory_space<vmem>>, %arg11: memref<!tpu.dma_semaphore, #tpu.memory_space<semaphore_mem>>, %arg12: memref<!tpu.dma_semaphore, #tpu.memory_space<semaphore_mem>>, %arg13: memref<!tpu.dma_semaphore, #tpu.memory_space<semaphore_mem>>, %arg14: memref<!tpu.dma_semaphore, #tpu.memory_space<semaphore_mem>>, %arg15: memref<!tpu.dma_semaphore, #tpu.memory_space<semaphore_mem>>) attributes {dimension_semantics = [#tpu.dimension_semantics<core_parallel>, #tpu.dimension_semantics<subcore_parallel>], iteration_bounds = array<i64: 2, 16>, scalar_prefetch = 0 : i64, scratch_operands = 11 : i64, tpu.core_type = #tpu.core_type<sc_vector_subcore>, window_params = [{transform_indices = #map}, {transform_indices = #map1}, {transform_indices = #map2}]} {
    %mul3A = arith.constant 2 : i32
    %mul3A_0 = arith.muli %arg1, %mul3A : i32
    %add3A = arith.addi %mul3A_0, %arg0 : i32
    %dma_start3A = arith.constant 0 : i32
    %dma_start3A_1 = tpu.memref_slice %arg3[%add3A, %dma_start3A] : memref<64x100000xf32, #tpu.memory_space<hbm>> -> memref<1x100000xf32, #tpu.memory_space<hbm>>
    %dma_start3A_2 = tpu.memref_squeeze %dma_start3A_1 : memref<1x100000xf32, #tpu.memory_space<hbm>> -> memref<100000xf32, #tpu.memory_space<hbm>>
    %dma_start3A_3 = arith.constant 0 : i32
    %dma_start3A_4 = tpu.memref_slice %arg3[%add3A, %dma_start3A_3] : memref<64x100000xf32, #tpu.memory_space<hbm>> -> memref<1x100000xf32, #tpu.memory_space<hbm>>
    %dma_start3A_5 = tpu.memref_squeeze %dma_start3A_4 : memref<1x100000xf32, #tpu.memory_space<hbm>> -> memref<100000xf32, #tpu.memory_space<hbm>>
    tpu.enqueue_dma source(%dma_start3A_5 : memref<100000xf32, #tpu.memory_space<hbm>>) target(%arg6 : memref<100000xf32, #tpu.memory_space<vmem>>) target_semaphore(%arg11 : memref<!tpu.dma_semaphore, #tpu.memory_space<semaphore_mem>>)
    %eq3A = arith.constant 0 : i32
    %eq3A_6 = arith.cmpi eq, %arg1, %eq3A : i32
    %convert_element_type3A = arith.extui %eq3A_6 : i1 to i32
    %cond3A = arith.constant 0 : i32
    %cond3A_7 = arith.cmpi ne, %convert_element_type3A, %cond3A : i32
    scf.if %cond3A_7 {
      "tpu.region"() ({
        %run_scoped3A = tpu.sem_alloc : memref<!tpu.dma_semaphore, #tpu.memory_space<semaphore_mem>>
        tpu.enqueue_dma source(%arg2 : memref<204800xi32, #tpu.memory_space<hbm>>) target(%arg5 : memref<204800xi32, #tpu.memory_space<vmem_shared>>) target_semaphore(%run_scoped3A : memref<!tpu.dma_semaphore, #tpu.memory_space<semaphore_mem>>)
        tpu.wait_dma2 semaphore(%run_scoped3A : memref<!tpu.dma_semaphore, #tpu.memory_space<semaphore_mem>>) src(%arg2 : memref<204800xi32, #tpu.memory_space<hbm>>) dst(%arg5 : memref<204800xi32, #tpu.memory_space<vmem_shared>>)
        tpu.yield
      }) : () -> ()
    } else {
    }
    %barrier3A = arith.constant 0 : index
    tpu.barrier barrier_id(%barrier3A)
    %add3A_8 = arith.constant 0 : i32
    %add3A_9 = arith.addi %add3A, %add3A_8 : i32
    %dma_start3A_10 = arith.constant 0 : i32
    %dma_start3A_11 = tpu.memref_slice %arg5[%dma_start3A_10] : memref<204800xi32, #tpu.memory_space<vmem_shared>> -> memref<4096xi32, #tpu.memory_space<vmem_shared>>
    %dma_start3A_12 = arith.constant 0 : i32
    %dma_start3A_13 = tpu.memref_slice %arg5[%dma_start3A_12] : memref<204800xi32, #tpu.memory_space<vmem_shared>> -> memref<4096xi32, #tpu.memory_space<vmem_shared>>
    tpu.enqueue_dma source(%dma_start3A_13 : memref<4096xi32, #tpu.memory_space<vmem_shared>>) target(%arg7 : memref<4096xi32, #tpu.memory_space<vmem>>) target_semaphore(%arg12 : memref<!tpu.dma_semaphore, #tpu.memory_space<semaphore_mem>>)
    %dma_start3A_14 = arith.constant 4096 : i32
    %dma_start3A_15 = tpu.memref_slice %arg5[%dma_start3A_14] : memref<204800xi32, #tpu.memory_space<vmem_shared>> -> memref<4096xi32, #tpu.memory_space<vmem_shared>>
    %dma_start3A_16 = arith.constant 4096 : i32
    %dma_start3A_17 = tpu.memref_slice %arg5[%dma_start3A_16] : memref<204800xi32, #tpu.memory_space<vmem_shared>> -> memref<4096xi32, #tpu.memory_space<vmem_shared>>
    tpu.enqueue_dma source(%dma_start3A_17 : memref<4096xi32, #tpu.memory_space<vmem_shared>>) target(%arg8 : memref<4096xi32, #tpu.memory_space<vmem>>) target_semaphore(%arg13 : memref<!tpu.dma_semaphore, #tpu.memory_space<semaphore_mem>>)
    %dma_wait3A = arith.constant 0 : i32
    %dma_wait3A_18 = tpu.memref_slice %arg3[%add3A, %dma_wait3A] : memref<64x100000xf32, #tpu.memory_space<hbm>> -> memref<1x100000xf32, #tpu.memory_space<hbm>>
    %dma_wait3A_19 = tpu.memref_squeeze %dma_wait3A_18 : memref<1x100000xf32, #tpu.memory_space<hbm>> -> memref<100000xf32, #tpu.memory_space<hbm>>
    %dma_wait3A_20 = arith.constant 0 : i32
    %dma_wait3A_21 = tpu.memref_slice %arg3[%add3A, %dma_wait3A_20] : memref<64x100000xf32, #tpu.memory_space<hbm>> -> memref<1x100000xf32, #tpu.memory_space<hbm>>
    %dma_wait3A_22 = tpu.memref_squeeze %dma_wait3A_21 : memref<1x100000xf32, #tpu.memory_space<hbm>> -> memref<100000xf32, #tpu.memory_space<hbm>>
    tpu.wait_dma2 semaphore(%arg11 : memref<!tpu.dma_semaphore, #tpu.memory_space<semaphore_mem>>) src(%dma_wait3A_22 : memref<100000xf32, #tpu.memory_space<hbm>>) dst(%arg6 : memref<100000xf32, #tpu.memory_space<vmem>>)
    %dma_wait3A_23 = arith.constant 0 : i32
    %dma_wait3A_24 = tpu.memref_slice %arg5[%dma_wait3A_23] : memref<204800xi32, #tpu.memory_space<vmem_shared>> -> memref<4096xi32, #tpu.memory_space<vmem_shared>>
    %dma_wait3A_25 = arith.constant 0 : i32
    %dma_wait3A_26 = tpu.memref_slice %arg5[%dma_wait3A_25] : memref<204800xi32, #tpu.memory_space<vmem_shared>> -> memref<4096xi32, #tpu.memory_space<vmem_shared>>
    tpu.wait_dma2 semaphore(%arg12 : memref<!tpu.dma_semaphore, #tpu.memory_space<semaphore_mem>>) src(%dma_wait3A_26 : memref<4096xi32, #tpu.memory_space<vmem_shared>>) dst(%arg7 : memref<4096xi32, #tpu.memory_space<vmem>>)
    %parallel_loop3A = arith.constant 0 : i32
    %parallel_loop3A_27 = arith.constant 256 : i32
    %parallel_loop3A_28 = arith.constant 1 : i32
    scf.for %parallel_loop3A_171 = %parallel_loop3A to %parallel_loop3A_27 step %parallel_loop3A_28  : i32 {
      %parallel_loop3A_172 = arith.constant 16 : i32
      %parallel_loop3A_173 = arith.muli %parallel_loop3A_171, %parallel_loop3A_172 : i32
      %parallel_loop3A_174 = arith.index_cast %parallel_loop3A_173 : i32 to index
      %parallel_loop3A_175 = tpu.vector_load %arg7[%parallel_loop3A_174] {strides = array<i32>} : memref<4096xi32, #tpu.memory_space<vmem>>, vector<16xi32>,
      %parallel_loop3A_176 = tpu.vector_load_idx %arg6[%parallel_loop3A_175] : memref<100000xf32, #tpu.memory_space<vmem>>[vector<16xi32>], vector<16xf32>,
      %parallel_loop3A_177 = arith.index_cast %parallel_loop3A_173 : i32 to index
      %parallel_loop3A_178 = tpu.vector_load %arg9[%parallel_loop3A_177] {strides = array<i32>} : memref<4096xf32, #tpu.memory_space<vmem>>, vector<16xf32>,
      tpu.vector_store %arg9[%parallel_loop3A_177], %parallel_loop3A_176 {strides = array<i32>} : memref<4096xf32, #tpu.memory_space<vmem>>, vector<16xf32>,
    } {sc.loop_unroll_factor = 16 : i64, sc.parallel_access}
    %dma_start3A_29 = arith.constant 0 : i32
    %dma_start3A_30 = arith.constant 0 : i32
    %dma_start3A_31 = tpu.memref_slice %arg4[%dma_start3A_29, %add3A_9, %dma_start3A_30] : memref<50x64x4096xf32, #tpu.memory_space<hbm>> -> memref<1x1x4096xf32, #tpu.memory_space<hbm>>
    %dma_start3A_32 = tpu.memref_squeeze %dma_start3A_31 : memref<1x1x4096xf32, #tpu.memory_space<hbm>> -> memref<4096xf32, #tpu.memory_space<hbm>>
    %dma_start3A_33 = arith.constant 0 : i32
    %dma_start3A_34 = tpu.memref_slice %arg4[%dma_start3A_29, %add3A_9, %dma_start3A_33] : memref<50x64x4096xf32, #tpu.memory_space<hbm>> -> memref<1x1x4096xf32, #tpu.memory_space<hbm>>
    %dma_start3A_35 = tpu.memref_squeeze %dma_start3A_34 : memref<1x1x4096xf32, #tpu.memory_space<hbm>> -> memref<4096xf32, #tpu.memory_space<hbm>>
    tpu.enqueue_dma source(%arg9 : memref<4096xf32, #tpu.memory_space<vmem>>) target(%dma_start3A_35 : memref<4096xf32, #tpu.memory_space<hbm>>) target_semaphore(%arg14 : memref<!tpu.dma_semaphore, #tpu.memory_space<semaphore_mem>>)
    %dma_start3A_36 = arith.constant 8192 : i32
    %dma_start3A_37 = tpu.memref_slice %arg5[%dma_start3A_36] : memref<204800xi32, #tpu.memory_space<vmem_shared>> -> memref<4096xi32, #tpu.memory_space<vmem_shared>>
    %dma_start3A_38 = arith.constant 8192 : i32
    %dma_start3A_39 = tpu.memref_slice %arg5[%dma_start3A_38] : memref<204800xi32, #tpu.memory_space<vmem_shared>> -> memref<4096xi32, #tpu.memory_space<vmem_shared>>
    tpu.enqueue_dma source(%dma_start3A_39 : memref<4096xi32, #tpu.memory_space<vmem_shared>>) target(%arg7 : memref<4096xi32, #tpu.memory_space<vmem>>) target_semaphore(%arg12 : memref<!tpu.dma_semaphore, #tpu.memory_space<semaphore_mem>>)
    %dma_wait3A_40 = arith.constant 0 : i32
    %dma_wait3A_41 = tpu.memref_slice %arg5[%dma_wait3A_40] : memref<204800xi32, #tpu.memory_space<vmem_shared>> -> memref<4096xi32, #tpu.memory_space<vmem_shared>>
    %dma_wait3A_42 = arith.constant 0 : i32
    %dma_wait3A_43 = tpu.memref_slice %arg5[%dma_wait3A_42] : memref<204800xi32, #tpu.memory_space<vmem_shared>> -> memref<4096xi32, #tpu.memory_space<vmem_shared>>
    tpu.wait_dma2 semaphore(%arg13 : memref<!tpu.dma_semaphore, #tpu.memory_space<semaphore_mem>>) src(%dma_wait3A_43 : memref<4096xi32, #tpu.memory_space<vmem_shared>>) dst(%arg8 : memref<4096xi32, #tpu.memory_space<vmem>>)
    %parallel_loop3A_44 = arith.constant 0 : i32
    %parallel_loop3A_45 = arith.constant 256 : i32
    %parallel_loop3A_46 = arith.constant 1 : i32
    scf.for %parallel_loop3A_171 = %parallel_loop3A_44 to %parallel_loop3A_45 step %parallel_loop3A_46  : i32 {
      %parallel_loop3A_172 = arith.constant 16 : i32
      %parallel_loop3A_173 = arith.muli %parallel_loop3A_171, %parallel_loop3A_172 : i32
      %parallel_loop3A_174 = arith.index_cast %parallel_loop3A_173 : i32 to index
      %parallel_loop3A_175 = tpu.vector_load %arg8[%parallel_loop3A_174] {strides = array<i32>} : memref<4096xi32, #tpu.memory_space<vmem>>, vector<16xi32>,
      %parallel_loop3A_176 = tpu.vector_load_idx %arg6[%parallel_loop3A_175] : memref<100000xf32, #tpu.memory_space<vmem>>[vector<16xi32>], vector<16xf32>,
      %parallel_loop3A_177 = arith.index_cast %parallel_loop3A_173 : i32 to index
      %parallel_loop3A_178 = tpu.vector_load %arg10[%parallel_loop3A_177] {strides = array<i32>} : memref<4096xf32, #tpu.memory_space<vmem>>, vector<16xf32>,
      tpu.vector_store %arg10[%parallel_loop3A_177], %parallel_loop3A_176 {strides = array<i32>} : memref<4096xf32, #tpu.memory_space<vmem>>, vector<16xf32>,
    } {sc.loop_unroll_factor = 16 : i64, sc.parallel_access}
    %dma_start3A_47 = arith.constant 1 : i32
    %dma_start3A_48 = arith.constant 0 : i32
    %dma_start3A_49 = tpu.memref_slice %arg4[%dma_start3A_47, %add3A_9, %dma_start3A_48] : memref<50x64x4096xf32, #tpu.memory_space<hbm>> -> memref<1x1x4096xf32, #tpu.memory_space<hbm>>
    %dma_start3A_50 = tpu.memref_squeeze %dma_start3A_49 : memref<1x1x4096xf32, #tpu.memory_space<hbm>> -> memref<4096xf32, #tpu.memory_space<hbm>>
    %dma_start3A_51 = arith.constant 0 : i32
    %dma_start3A_52 = tpu.memref_slice %arg4[%dma_start3A_47, %add3A_9, %dma_start3A_51] : memref<50x64x4096xf32, #tpu.memory_space<hbm>> -> memref<1x1x4096xf32, #tpu.memory_space<hbm>>
    %dma_start3A_53 = tpu.memref_squeeze %dma_start3A_52 : memref<1x1x4096xf32, #tpu.memory_space<hbm>> -> memref<4096xf32, #tpu.memory_space<hbm>>
    tpu.enqueue_dma source(%arg10 : memref<4096xf32, #tpu.memory_space<vmem>>) target(%dma_start3A_53 : memref<4096xf32, #tpu.memory_space<hbm>>) target_semaphore(%arg15 : memref<!tpu.dma_semaphore, #tpu.memory_space<semaphore_mem>>)
    %dma_start3A_54 = arith.constant 12288 : i32
    %dma_start3A_55 = tpu.memref_slice %arg5[%dma_start3A_54] : memref<204800xi32, #tpu.memory_space<vmem_shared>> -> memref<4096xi32, #tpu.memory_space<vmem_shared>>
    %dma_start3A_56 = arith.constant 12288 : i32
    %dma_start3A_57 = tpu.memref_slice %arg5[%dma_start3A_56] : memref<204800xi32, #tpu.memory_space<vmem_shared>> -> memref<4096xi32, #tpu.memory_space<vmem_shared>>
    tpu.enqueue_dma source(%dma_start3A_57 : memref<4096xi32, #tpu.memory_space<vmem_shared>>) target(%arg8 : memref<4096xi32, #tpu.memory_space<vmem>>) target_semaphore(%arg13 : memref<!tpu.dma_semaphore, #tpu.memory_space<semaphore_mem>>)
    %scan3A = arith.constant 0 : i32
    %scan3A_58 = arith.constant 1 : i32
    %scan3A_59 = arith.constant 24 : i32
    %scan3A_60 = arith.addi %scan3A_58, %scan3A_59 : i32
    %scan3A_61 = arith.constant 1 : i32
    scf.for %scan3A_171 = %scan3A_58 to %scan3A_60 step %scan3A_61  : i32 {
      %mul3A_172 = arith.constant 2 : i32
      %mul3A_173 = arith.muli %mul3A_172, %scan3A_171 : i32
      %dma_wait3A_174 = arith.constant 0 : i32
      %dma_wait3A_175 = tpu.memref_slice %arg5[%dma_wait3A_174] : memref<204800xi32, #tpu.memory_space<vmem_shared>> -> memref<4096xi32, #tpu.memory_space<vmem_shared>>
      %dma_wait3A_176 = arith.constant 0 : i32
      %dma_wait3A_177 = tpu.memref_slice %arg5[%dma_wait3A_176] : memref<204800xi32, #tpu.memory_space<vmem_shared>> -> memref<4096xi32, #tpu.memory_space<vmem_shared>>
      tpu.wait_dma2 semaphore(%arg12 : memref<!tpu.dma_semaphore, #tpu.memory_space<semaphore_mem>>) src(%dma_wait3A_177 : memref<4096xi32, #tpu.memory_space<vmem_shared>>) dst(%arg7 : memref<4096xi32, #tpu.memory_space<vmem>>)
      %sub3A = arith.constant 2 : i32
      %sub3A_178 = arith.subi %mul3A_173, %sub3A : i32
      %dma_wait3A_179 = arith.constant 0 : i32
      %dma_wait3A_180 = tpu.memref_slice %arg4[%sub3A_178, %add3A_9, %dma_wait3A_179] : memref<50x64x4096xf32, #tpu.memory_space<hbm>> -> memref<1x1x4096xf32, #tpu.memory_space<hbm>>
      %dma_wait3A_181 = tpu.memref_squeeze %dma_wait3A_180 : memref<1x1x4096xf32, #tpu.memory_space<hbm>> -> memref<4096xf32, #tpu.memory_space<hbm>>
      %dma_wait3A_182 = arith.constant 0 : i32
      %dma_wait3A_183 = tpu.memref_slice %arg4[%sub3A_178, %add3A_9, %dma_wait3A_182] : memref<50x64x4096xf32, #tpu.memory_space<hbm>> -> memref<1x1x4096xf32, #tpu.memory_space<hbm>>
      %dma_wait3A_184 = tpu.memref_squeeze %dma_wait3A_183 : memref<1x1x4096xf32, #tpu.memory_space<hbm>> -> memref<4096xf32, #tpu.memory_space<hbm>>
      tpu.wait_dma2 semaphore(%arg14 : memref<!tpu.dma_semaphore, #tpu.memory_space<semaphore_mem>>) src(%arg9 : memref<4096xf32, #tpu.memory_space<vmem>>) dst(%dma_wait3A_184 : memref<4096xf32, #tpu.memory_space<hbm>>)
      %parallel_loop3A_185 = arith.constant 0 : i32
      %parallel_loop3A_186 = arith.constant 256 : i32
      %parallel_loop3A_187 = arith.constant 1 : i32
      scf.for %parallel_loop3A_232 = %parallel_loop3A_185 to %parallel_loop3A_186 step %parallel_loop3A_187  : i32 {
        %parallel_loop3A_233 = arith.constant 16 : i32
        %parallel_loop3A_234 = arith.muli %parallel_loop3A_232, %parallel_loop3A_233 : i32
        %parallel_loop3A_235 = arith.index_cast %parallel_loop3A_234 : i32 to index
        %parallel_loop3A_236 = tpu.vector_load %arg7[%parallel_loop3A_235] {strides = array<i32>} : memref<4096xi32, #tpu.memory_space<vmem>>, vector<16xi32>,
        %parallel_loop3A_237 = tpu.vector_load_idx %arg6[%parallel_loop3A_236] : memref<100000xf32, #tpu.memory_space<vmem>>[vector<16xi32>], vector<16xf32>,
        %parallel_loop3A_238 = arith.index_cast %parallel_loop3A_234 : i32 to index
        %parallel_loop3A_239 = tpu.vector_load %arg9[%parallel_loop3A_238] {strides = array<i32>} : memref<4096xf32, #tpu.memory_space<vmem>>, vector<16xf32>,
        tpu.vector_store %arg9[%parallel_loop3A_238], %parallel_loop3A_237 {strides = array<i32>} : memref<4096xf32, #tpu.memory_space<vmem>>, vector<16xf32>,
      } {sc.loop_unroll_factor = 16 : i64, sc.parallel_access}
      %dma_start3A_188 = arith.constant 0 : i32
      %dma_start3A_189 = tpu.memref_slice %arg4[%mul3A_173, %add3A_9, %dma_start3A_188] : memref<50x64x4096xf32, #tpu.memory_space<hbm>> -> memref<1x1x4096xf32, #tpu.memory_space<hbm>>
      %dma_start3A_190 = tpu.memref_squeeze %dma_start3A_189 : memref<1x1x4096xf32, #tpu.memory_space<hbm>> -> memref<4096xf32, #tpu.memory_space<hbm>>
      %dma_start3A_191 = arith.constant 0 : i32
      %dma_start3A_192 = tpu.memref_slice %arg4[%mul3A_173, %add3A_9, %dma_start3A_191] : memref<50x64x4096xf32, #tpu.memory_space<hbm>> -> memref<1x1x4096xf32, #tpu.memory_space<hbm>>
      %dma_start3A_193 = tpu.memref_squeeze %dma_start3A_192 : memref<1x1x4096xf32, #tpu.memory_space<hbm>> -> memref<4096xf32, #tpu.memory_space<hbm>>
      tpu.enqueue_dma source(%arg9 : memref<4096xf32, #tpu.memory_space<vmem>>) target(%dma_start3A_193 : memref<4096xf32, #tpu.memory_space<hbm>>) target_semaphore(%arg14 : memref<!tpu.dma_semaphore, #tpu.memory_space<semaphore_mem>>)
      %add3A_194 = arith.constant 2 : i32
      %add3A_195 = arith.addi %mul3A_173, %add3A_194 : i32
      %min3A = arith.constant 49 : i32
      %min3A_196 = arith.minsi %add3A_195, %min3A : i32
      %mul3A_197 = arith.constant 4096 : i32
      %mul3A_198 = arith.muli %min3A_196, %mul3A_197 : i32
      %dma_start3A_199 = tpu.memref_slice %arg5[%mul3A_198] : memref<204800xi32, #tpu.memory_space<vmem_shared>> -> memref<4096xi32, #tpu.memory_space<vmem_shared>>
      %dma_start3A_200 = tpu.memref_slice %arg5[%mul3A_198] : memref<204800xi32, #tpu.memory_space<vmem_shared>> -> memref<4096xi32, #tpu.memory_space<vmem_shared>>
      tpu.enqueue_dma source(%dma_start3A_200 : memref<4096xi32, #tpu.memory_space<vmem_shared>>) target(%arg7 : memref<4096xi32, #tpu.memory_space<vmem>>) target_semaphore(%arg12 : memref<!tpu.dma_semaphore, #tpu.memory_space<semaphore_mem>>)
      %dma_wait3A_201 = arith.constant 0 : i32
      %dma_wait3A_202 = tpu.memref_slice %arg5[%dma_wait3A_201] : memref<204800xi32, #tpu.memory_space<vmem_shared>> -> memref<4096xi32, #tpu.memory_space<vmem_shared>>
      %dma_wait3A_203 = arith.constant 0 : i32
      %dma_wait3A_204 = tpu.memref_slice %arg5[%dma_wait3A_203] : memref<204800xi32, #tpu.memory_space<vmem_shared>> -> memref<4096xi32, #tpu.memory_space<vmem_shared>>
      tpu.wait_dma2 semaphore(%arg13 : memref<!tpu.dma_semaphore, #tpu.memory_space<semaphore_mem>>) src(%dma_wait3A_204 : memref<4096xi32, #tpu.memory_space<vmem_shared>>) dst(%arg8 : memref<4096xi32, #tpu.memory_space<vmem>>)
      %sub3A_205 = arith.constant 1 : i32
      %sub3A_206 = arith.subi %mul3A_173, %sub3A_205 : i32
      %dma_wait3A_207 = arith.constant 0 : i32
      %dma_wait3A_208 = tpu.memref_slice %arg4[%sub3A_206, %add3A_9, %dma_wait3A_207] : memref<50x64x4096xf32, #tpu.memory_space<hbm>> -> memref<1x1x4096xf32, #tpu.memory_space<hbm>>
      %dma_wait3A_209 = tpu.memref_squeeze %dma_wait3A_208 : memref<1x1x4096xf32, #tpu.memory_space<hbm>> -> memref<4096xf32, #tpu.memory_space<hbm>>
      %dma_wait3A_210 = arith.constant 0 : i32
      %dma_wait3A_211 = tpu.memref_slice %arg4[%sub3A_206, %add3A_9, %dma_wait3A_210] : memref<50x64x4096xf32, #tpu.memory_space<hbm>> -> memref<1x1x4096xf32, #tpu.memory_space<hbm>>
      %dma_wait3A_212 = tpu.memref_squeeze %dma_wait3A_211 : memref<1x1x4096xf32, #tpu.memory_space<hbm>> -> memref<4096xf32, #tpu.memory_space<hbm>>
      tpu.wait_dma2 semaphore(%arg15 : memref<!tpu.dma_semaphore, #tpu.memory_space<semaphore_mem>>) src(%arg10 : memref<4096xf32, #tpu.memory_space<vmem>>) dst(%dma_wait3A_212 : memref<4096xf32, #tpu.memory_space<hbm>>)
      %parallel_loop3A_213 = arith.constant 0 : i32
      %parallel_loop3A_214 = arith.constant 256 : i32
      %parallel_loop3A_215 = arith.constant 1 : i32
      scf.for %parallel_loop3A_232 = %parallel_loop3A_213 to %parallel_loop3A_214 step %parallel_loop3A_215  : i32 {
        %parallel_loop3A_233 = arith.constant 16 : i32
        %parallel_loop3A_234 = arith.muli %parallel_loop3A_232, %parallel_loop3A_233 : i32
        %parallel_loop3A_235 = arith.index_cast %parallel_loop3A_234 : i32 to index
        %parallel_loop3A_236 = tpu.vector_load %arg8[%parallel_loop3A_235] {strides = array<i32>} : memref<4096xi32, #tpu.memory_space<vmem>>, vector<16xi32>,
        %parallel_loop3A_237 = tpu.vector_load_idx %arg6[%parallel_loop3A_236] : memref<100000xf32, #tpu.memory_space<vmem>>[vector<16xi32>], vector<16xf32>,
        %parallel_loop3A_238 = arith.index_cast %parallel_loop3A_234 : i32 to index
        %parallel_loop3A_239 = tpu.vector_load %arg10[%parallel_loop3A_238] {strides = array<i32>} : memref<4096xf32, #tpu.memory_space<vmem>>, vector<16xf32>,
        tpu.vector_store %arg10[%parallel_loop3A_238], %parallel_loop3A_237 {strides = array<i32>} : memref<4096xf32, #tpu.memory_space<vmem>>, vector<16xf32>,
      } {sc.loop_unroll_factor = 16 : i64, sc.parallel_access}
      %add3A_216 = arith.constant 1 : i32
      %add3A_217 = arith.addi %mul3A_173, %add3A_216 : i32
      %dma_start3A_218 = arith.constant 0 : i32
      %dma_start3A_219 = tpu.memref_slice %arg4[%add3A_217, %add3A_9, %dma_start3A_218] : memref<50x64x4096xf32, #tpu.memory_space<hbm>> -> memref<1x1x4096xf32, #tpu.memory_space<hbm>>
      %dma_start3A_220 = tpu.memref_squeeze %dma_start3A_219 : memref<1x1x4096xf32, #tpu.memory_space<hbm>> -> memref<4096xf32, #tpu.memory_space<hbm>>
      %dma_start3A_221 = arith.constant 0 : i32
      %dma_start3A_222 = tpu.memref_slice %arg4[%add3A_217, %add3A_9, %dma_start3A_221] : memref<50x64x4096xf32, #tpu.memory_space<hbm>> -> memref<1x1x4096xf32, #tpu.memory_space<hbm>>
      %dma_start3A_223 = tpu.memref_squeeze %dma_start3A_222 : memref<1x1x4096xf32, #tpu.memory_space<hbm>> -> memref<4096xf32, #tpu.memory_space<hbm>>
      tpu.enqueue_dma source(%arg10 : memref<4096xf32, #tpu.memory_space<vmem>>) target(%dma_start3A_223 : memref<4096xf32, #tpu.memory_space<hbm>>) target_semaphore(%arg15 : memref<!tpu.dma_semaphore, #tpu.memory_space<semaphore_mem>>)
      %add3A_224 = arith.constant 3 : i32
      %add3A_225 = arith.addi %mul3A_173, %add3A_224 : i32
      %min3A_226 = arith.constant 49 : i32
      %min3A_227 = arith.minsi %add3A_225, %min3A_226 : i32
      %mul3A_228 = arith.constant 4096 : i32
      %mul3A_229 = arith.muli %min3A_227, %mul3A_228 : i32
      %dma_start3A_230 = tpu.memref_slice %arg5[%mul3A_229] : memref<204800xi32, #tpu.memory_space<vmem_shared>> -> memref<4096xi32, #tpu.memory_space<vmem_shared>>
      %dma_start3A_231 = tpu.memref_slice %arg5[%mul3A_229] : memref<204800xi32, #tpu.memory_space<vmem_shared>> -> memref<4096xi32, #tpu.memory_space<vmem_shared>>
      tpu.enqueue_dma source(%dma_start3A_231 : memref<4096xi32, #tpu.memory_space<vmem_shared>>) target(%arg8 : memref<4096xi32, #tpu.memory_space<vmem>>) target_semaphore(%arg13 : memref<!tpu.dma_semaphore, #tpu.memory_space<semaphore_mem>>)
    }
    %scan3A_62 = arith.constant 24 : i32
    %dma_wait3A_63 = arith.constant 48 : i32
    %dma_wait3A_64 = arith.constant 0 : i32
    %dma_wait3A_65 = tpu.memref_slice %arg4[%dma_wait3A_63, %add3A_9, %dma_wait3A_64] : memref<50x64x4096xf32, #tpu.memory_space<hbm>> -> memref<1x1x4096xf32, #tpu.memory_space<hbm>>
    %dma_wait3A_66 = tpu.memref_squeeze %dma_wait3A_65 : memref<1x1x4096xf32, #tpu.memory_space<hbm>> -> memref<4096xf32, #tpu.memory_space<hbm>>
    %dma_wait3A_67 = arith.constant 0 : i32
    %dma_wait3A_68 = tpu.memref_slice %arg4[%dma_wait3A_63, %add3A_9, %dma_wait3A_67] : memref<50x64x4096xf32, #tpu.memory_space<hbm>> -> memref<1x1x4096xf32, #tpu.memory_space<hbm>>
    %dma_wait3A_69 = tpu.memref_squeeze %dma_wait3A_68 : memref<1x1x4096xf32, #tpu.memory_space<hbm>> -> memref<4096xf32, #tpu.memory_space<hbm>>
    tpu.wait_dma2 semaphore(%arg14 : memref<!tpu.dma_semaphore, #tpu.memory_space<semaphore_mem>>) src(%arg9 : memref<4096xf32, #tpu.memory_space<vmem>>) dst(%dma_wait3A_69 : memref<4096xf32, #tpu.memory_space<hbm>>)
    %dma_wait3A_70 = arith.constant 49 : i32
    %dma_wait3A_71 = arith.constant 0 : i32
    %dma_wait3A_72 = tpu.memref_slice %arg4[%dma_wait3A_70, %add3A_9, %dma_wait3A_71] : memref<50x64x4096xf32, #tpu.memory_space<hbm>> -> memref<1x1x4096xf32, #tpu.memory_space<hbm>>
    %dma_wait3A_73 = tpu.memref_squeeze %dma_wait3A_72 : memref<1x1x4096xf32, #tpu.memory_space<hbm>> -> memref<4096xf32, #tpu.memory_space<hbm>>
    %dma_wait3A_74 = arith.constant 0 : i32
    %dma_wait3A_75 = tpu.memref_slice %arg4[%dma_wait3A_70, %add3A_9, %dma_wait3A_74] : memref<50x64x4096xf32, #tpu.memory_space<hbm>> -> memref<1x1x4096xf32, #tpu.memory_space<hbm>>
    %dma_wait3A_76 = tpu.memref_squeeze %dma_wait3A_75 : memref<1x1x4096xf32, #tpu.memory_space<hbm>> -> memref<4096xf32, #tpu.memory_space<hbm>>
    tpu.wait_dma2 semaphore(%arg15 : memref<!tpu.dma_semaphore, #tpu.memory_space<semaphore_mem>>) src(%arg10 : memref<4096xf32, #tpu.memory_space<vmem>>) dst(%dma_wait3A_76 : memref<4096xf32, #tpu.memory_space<hbm>>)
    %dma_wait3A_77 = arith.constant 0 : i32
    %dma_wait3A_78 = tpu.memref_slice %arg5[%dma_wait3A_77] : memref<204800xi32, #tpu.memory_space<vmem_shared>> -> memref<4096xi32, #tpu.memory_space<vmem_shared>>
    %dma_wait3A_79 = arith.constant 0 : i32
    %dma_wait3A_80 = tpu.memref_slice %arg5[%dma_wait3A_79] : memref<204800xi32, #tpu.memory_space<vmem_shared>> -> memref<4096xi32, #tpu.memory_space<vmem_shared>>
    tpu.wait_dma2 semaphore(%arg12 : memref<!tpu.dma_semaphore, #tpu.memory_space<semaphore_mem>>) src(%dma_wait3A_80 : memref<4096xi32, #tpu.memory_space<vmem_shared>>) dst(%arg7 : memref<4096xi32, #tpu.memory_space<vmem>>)
    %dma_wait3A_81 = arith.constant 0 : i32
    %dma_wait3A_82 = tpu.memref_slice %arg5[%dma_wait3A_81] : memref<204800xi32, #tpu.memory_space<vmem_shared>> -> memref<4096xi32, #tpu.memory_space<vmem_shared>>
    %dma_wait3A_83 = arith.constant 0 : i32
    %dma_wait3A_84 = tpu.memref_slice %arg5[%dma_wait3A_83] : memref<204800xi32, #tpu.memory_space<vmem_shared>> -> memref<4096xi32, #tpu.memory_space<vmem_shared>>
    tpu.wait_dma2 semaphore(%arg13 : memref<!tpu.dma_semaphore, #tpu.memory_space<semaphore_mem>>) src(%dma_wait3A_84 : memref<4096xi32, #tpu.memory_space<vmem_shared>>) dst(%arg8 : memref<4096xi32, #tpu.memory_space<vmem>>)
    %add3A_85 = arith.constant 32 : i32
    %add3A_86 = arith.addi %add3A, %add3A_85 : i32
    %dma_start3A_87 = arith.constant 0 : i32
    %dma_start3A_88 = tpu.memref_slice %arg3[%add3A_86, %dma_start3A_87] : memref<64x100000xf32, #tpu.memory_space<hbm>> -> memref<1x100000xf32, #tpu.memory_space<hbm>>
    %dma_start3A_89 = tpu.memref_squeeze %dma_start3A_88 : memref<1x100000xf32, #tpu.memory_space<hbm>> -> memref<100000xf32, #tpu.memory_space<hbm>>
    %dma_start3A_90 = arith.constant 0 : i32
    %dma_start3A_91 = tpu.memref_slice %arg3[%add3A_86, %dma_start3A_90] : memref<64x100000xf32, #tpu.memory_space<hbm>> -> memref<1x100000xf32, #tpu.memory_space<hbm>>
    %dma_start3A_92 = tpu.memref_squeeze %dma_start3A_91 : memref<1x100000xf32, #tpu.memory_space<hbm>> -> memref<100000xf32, #tpu.memory_space<hbm>>
    tpu.enqueue_dma source(%dma_start3A_92 : memref<100000xf32, #tpu.memory_space<hbm>>) target(%arg6 : memref<100000xf32, #tpu.memory_space<vmem>>) target_semaphore(%arg11 : memref<!tpu.dma_semaphore, #tpu.memory_space<semaphore_mem>>)
    %dma_start3A_93 = arith.constant 0 : i32
    %dma_start3A_94 = tpu.memref_slice %arg5[%dma_start3A_93] : memref<204800xi32, #tpu.memory_space<vmem_shared>> -> memref<4096xi32, #tpu.memory_space<vmem_shared>>
    %dma_start3A_95 = arith.constant 0 : i32
    %dma_start3A_96 = tpu.memref_slice %arg5[%dma_start3A_95] : memref<204800xi32, #tpu.memory_space<vmem_shared>> -> memref<4096xi32, #tpu.memory_space<vmem_shared>>
    tpu.enqueue_dma source(%dma_start3A_96 : memref<4096xi32, #tpu.memory_space<vmem_shared>>) target(%arg7 : memref<4096xi32, #tpu.memory_space<vmem>>) target_semaphore(%arg12 : memref<!tpu.dma_semaphore, #tpu.memory_space<semaphore_mem>>)
    %dma_start3A_97 = arith.constant 4096 : i32
    %dma_start3A_98 = tpu.memref_slice %arg5[%dma_start3A_97] : memref<204800xi32, #tpu.memory_space<vmem_shared>> -> memref<4096xi32, #tpu.memory_space<vmem_shared>>
    %dma_start3A_99 = arith.constant 4096 : i32
    %dma_start3A_100 = tpu.memref_slice %arg5[%dma_start3A_99] : memref<204800xi32, #tpu.memory_space<vmem_shared>> -> memref<4096xi32, #tpu.memory_space<vmem_shared>>
    tpu.enqueue_dma source(%dma_start3A_100 : memref<4096xi32, #tpu.memory_space<vmem_shared>>) target(%arg8 : memref<4096xi32, #tpu.memory_space<vmem>>) target_semaphore(%arg13 : memref<!tpu.dma_semaphore, #tpu.memory_space<semaphore_mem>>)
    %dma_wait3A_101 = arith.constant 0 : i32
    %dma_wait3A_102 = tpu.memref_slice %arg3[%add3A_86, %dma_wait3A_101] : memref<64x100000xf32, #tpu.memory_space<hbm>> -> memref<1x100000xf32, #tpu.memory_space<hbm>>
    %dma_wait3A_103 = tpu.memref_squeeze %dma_wait3A_102 : memref<1x100000xf32, #tpu.memory_space<hbm>> -> memref<100000xf32, #tpu.memory_space<hbm>>
    %dma_wait3A_104 = arith.constant 0 : i32
    %dma_wait3A_105 = tpu.memref_slice %arg3[%add3A_86, %dma_wait3A_104] : memref<64x100000xf32, #tpu.memory_space<hbm>> -> memref<1x100000xf32, #tpu.memory_space<hbm>>
    %dma_wait3A_106 = tpu.memref_squeeze %dma_wait3A_105 : memref<1x100000xf32, #tpu.memory_space<hbm>> -> memref<100000xf32, #tpu.memory_space<hbm>>
    tpu.wait_dma2 semaphore(%arg11 : memref<!tpu.dma_semaphore, #tpu.memory_space<semaphore_mem>>) src(%dma_wait3A_106 : memref<100000xf32, #tpu.memory_space<hbm>>) dst(%arg6 : memref<100000xf32, #tpu.memory_space<vmem>>)
    %dma_wait3A_107 = arith.constant 0 : i32
    %dma_wait3A_108 = tpu.memref_slice %arg5[%dma_wait3A_107] : memref<204800xi32, #tpu.memory_space<vmem_shared>> -> memref<4096xi32, #tpu.memory_space<vmem_shared>>
    %dma_wait3A_109 = arith.constant 0 : i32
    %dma_wait3A_110 = tpu.memref_slice %arg5[%dma_wait3A_109] : memref<204800xi32, #tpu.memory_space<vmem_shared>> -> memref<4096xi32, #tpu.memory_space<vmem_shared>>
    tpu.wait_dma2 semaphore(%arg12 : memref<!tpu.dma_semaphore, #tpu.memory_space<semaphore_mem>>) src(%dma_wait3A_110 : memref<4096xi32, #tpu.memory_space<vmem_shared>>) dst(%arg7 : memref<4096xi32, #tpu.memory_space<vmem>>)
    %parallel_loop3A_111 = arith.constant 0 : i32
    %parallel_loop3A_112 = arith.constant 256 : i32
    %parallel_loop3A_113 = arith.constant 1 : i32
    scf.for %parallel_loop3A_171 = %parallel_loop3A_111 to %parallel_loop3A_112 step %parallel_loop3A_113  : i32 {
      %parallel_loop3A_172 = arith.constant 16 : i32
      %parallel_loop3A_173 = arith.muli %parallel_loop3A_171, %parallel_loop3A_172 : i32
      %parallel_loop3A_174 = arith.index_cast %parallel_loop3A_173 : i32 to index
      %parallel_loop3A_175 = tpu.vector_load %arg7[%parallel_loop3A_174] {strides = array<i32>} : memref<4096xi32, #tpu.memory_space<vmem>>, vector<16xi32>,
      %parallel_loop3A_176 = tpu.vector_load_idx %arg6[%parallel_loop3A_175] : memref<100000xf32, #tpu.memory_space<vmem>>[vector<16xi32>], vector<16xf32>,
      %parallel_loop3A_177 = arith.index_cast %parallel_loop3A_173 : i32 to index
      %parallel_loop3A_178 = tpu.vector_load %arg9[%parallel_loop3A_177] {strides = array<i32>} : memref<4096xf32, #tpu.memory_space<vmem>>, vector<16xf32>,
      tpu.vector_store %arg9[%parallel_loop3A_177], %parallel_loop3A_176 {strides = array<i32>} : memref<4096xf32, #tpu.memory_space<vmem>>, vector<16xf32>,
    } {sc.loop_unroll_factor = 16 : i64, sc.parallel_access}
    %dma_start3A_114 = arith.constant 0 : i32
    %dma_start3A_115 = arith.constant 0 : i32
    %dma_start3A_116 = tpu.memref_slice %arg4[%dma_start3A_114, %add3A_86, %dma_start3A_115] : memref<50x64x4096xf32, #tpu.memory_space<hbm>> -> memref<1x1x4096xf32, #tpu.memory_space<hbm>>
    %dma_start3A_117 = tpu.memref_squeeze %dma_start3A_116 : memref<1x1x4096xf32, #tpu.memory_space<hbm>> -> memref<4096xf32, #tpu.memory_space<hbm>>
    %dma_start3A_118 = arith.constant 0 : i32
    %dma_start3A_119 = tpu.memref_slice %arg4[%dma_start3A_114, %add3A_86, %dma_start3A_118] : memref<50x64x4096xf32, #tpu.memory_space<hbm>> -> memref<1x1x4096xf32, #tpu.memory_space<hbm>>
    %dma_start3A_120 = tpu.memref_squeeze %dma_start3A_119 : memref<1x1x4096xf32, #tpu.memory_space<hbm>> -> memref<4096xf32, #tpu.memory_space<hbm>>
    tpu.enqueue_dma source(%arg9 : memref<4096xf32, #tpu.memory_space<vmem>>) target(%dma_start3A_120 : memref<4096xf32, #tpu.memory_space<hbm>>) target_semaphore(%arg14 : memref<!tpu.dma_semaphore, #tpu.memory_space<semaphore_mem>>)
    %dma_start3A_121 = arith.constant 8192 : i32
    %dma_start3A_122 = tpu.memref_slice %arg5[%dma_start3A_121] : memref<204800xi32, #tpu.memory_space<vmem_shared>> -> memref<4096xi32, #tpu.memory_space<vmem_shared>>
    %dma_start3A_123 = arith.constant 8192 : i32
    %dma_start3A_124 = tpu.memref_slice %arg5[%dma_start3A_123] : memref<204800xi32, #tpu.memory_space<vmem_shared>> -> memref<4096xi32, #tpu.memory_space<vmem_shared>>
    tpu.enqueue_dma source(%dma_start3A_124 : memref<4096xi32, #tpu.memory_space<vmem_shared>>) target(%arg7 : memref<4096xi32, #tpu.memory_space<vmem>>) target_semaphore(%arg12 : memref<!tpu.dma_semaphore, #tpu.memory_space<semaphore_mem>>)
    %dma_wait3A_125 = arith.constant 0 : i32
    %dma_wait3A_126 = tpu.memref_slice %arg5[%dma_wait3A_125] : memref<204800xi32, #tpu.memory_space<vmem_shared>> -> memref<4096xi32, #tpu.memory_space<vmem_shared>>
    %dma_wait3A_127 = arith.constant 0 : i32
    %dma_wait3A_128 = tpu.memref_slice %arg5[%dma_wait3A_127] : memref<204800xi32, #tpu.memory_space<vmem_shared>> -> memref<4096xi32, #tpu.memory_space<vmem_shared>>
    tpu.wait_dma2 semaphore(%arg13 : memref<!tpu.dma_semaphore, #tpu.memory_space<semaphore_mem>>) src(%dma_wait3A_128 : memref<4096xi32, #tpu.memory_space<vmem_shared>>) dst(%arg8 : memref<4096xi32, #tpu.memory_space<vmem>>)
    %parallel_loop3A_129 = arith.constant 0 : i32
    %parallel_loop3A_130 = arith.constant 256 : i32
    %parallel_loop3A_131 = arith.constant 1 : i32
    scf.for %parallel_loop3A_171 = %parallel_loop3A_129 to %parallel_loop3A_130 step %parallel_loop3A_131  : i32 {
      %parallel_loop3A_172 = arith.constant 16 : i32
      %parallel_loop3A_173 = arith.muli %parallel_loop3A_171, %parallel_loop3A_172 : i32
      %parallel_loop3A_174 = arith.index_cast %parallel_loop3A_173 : i32 to index
      %parallel_loop3A_175 = tpu.vector_load %arg8[%parallel_loop3A_174] {strides = array<i32>} : memref<4096xi32, #tpu.memory_space<vmem>>, vector<16xi32>,
      %parallel_loop3A_176 = tpu.vector_load_idx %arg6[%parallel_loop3A_175] : memref<100000xf32, #tpu.memory_space<vmem>>[vector<16xi32>], vector<16xf32>,
      %parallel_loop3A_177 = arith.index_cast %parallel_loop3A_173 : i32 to index
      %parallel_loop3A_178 = tpu.vector_load %arg10[%parallel_loop3A_177] {strides = array<i32>} : memref<4096xf32, #tpu.memory_space<vmem>>, vector<16xf32>,
      tpu.vector_store %arg10[%parallel_loop3A_177], %parallel_loop3A_176 {strides = array<i32>} : memref<4096xf32, #tpu.memory_space<vmem>>, vector<16xf32>,
    } {sc.loop_unroll_factor = 16 : i64, sc.parallel_access}
    %dma_start3A_132 = arith.constant 1 : i32
    %dma_start3A_133 = arith.constant 0 : i32
    %dma_start3A_134 = tpu.memref_slice %arg4[%dma_start3A_132, %add3A_86, %dma_start3A_133] : memref<50x64x4096xf32, #tpu.memory_space<hbm>> -> memref<1x1x4096xf32, #tpu.memory_space<hbm>>
    %dma_start3A_135 = tpu.memref_squeeze %dma_start3A_134 : memref<1x1x4096xf32, #tpu.memory_space<hbm>> -> memref<4096xf32, #tpu.memory_space<hbm>>
    %dma_start3A_136 = arith.constant 0 : i32
    %dma_start3A_137 = tpu.memref_slice %arg4[%dma_start3A_132, %add3A_86, %dma_start3A_136] : memref<50x64x4096xf32, #tpu.memory_space<hbm>> -> memref<1x1x4096xf32, #tpu.memory_space<hbm>>
    %dma_start3A_138 = tpu.memref_squeeze %dma_start3A_137 : memref<1x1x4096xf32, #tpu.memory_space<hbm>> -> memref<4096xf32, #tpu.memory_space<hbm>>
    tpu.enqueue_dma source(%arg10 : memref<4096xf32, #tpu.memory_space<vmem>>) target(%dma_start3A_138 : memref<4096xf32, #tpu.memory_space<hbm>>) target_semaphore(%arg15 : memref<!tpu.dma_semaphore, #tpu.memory_space<semaphore_mem>>)
    %dma_start3A_139 = arith.constant 12288 : i32
    %dma_start3A_140 = tpu.memref_slice %arg5[%dma_start3A_139] : memref<204800xi32, #tpu.memory_space<vmem_shared>> -> memref<4096xi32, #tpu.memory_space<vmem_shared>>
    %dma_start3A_141 = arith.constant 12288 : i32
    %dma_start3A_142 = tpu.memref_slice %arg5[%dma_start3A_141] : memref<204800xi32, #tpu.memory_space<vmem_shared>> -> memref<4096xi32, #tpu.memory_space<vmem_shared>>
    tpu.enqueue_dma source(%dma_start3A_142 : memref<4096xi32, #tpu.memory_space<vmem_shared>>) target(%arg8 : memref<4096xi32, #tpu.memory_space<vmem>>) target_semaphore(%arg13 : memref<!tpu.dma_semaphore, #tpu.memory_space<semaphore_mem>>)
    %scan3A_143 = arith.constant 0 : i32
    %scan3A_144 = arith.constant 1 : i32
    %scan3A_145 = arith.constant 24 : i32
    %scan3A_146 = arith.addi %scan3A_144, %scan3A_145 : i32
    %scan3A_147 = arith.constant 1 : i32
    scf.for %scan3A_171 = %scan3A_144 to %scan3A_146 step %scan3A_147  : i32 {
      %mul3A_172 = arith.constant 2 : i32
      %mul3A_173 = arith.muli %mul3A_172, %scan3A_171 : i32
      %dma_wait3A_174 = arith.constant 0 : i32
      %dma_wait3A_175 = tpu.memref_slice %arg5[%dma_wait3A_174] : memref<204800xi32, #tpu.memory_space<vmem_shared>> -> memref<4096xi32, #tpu.memory_space<vmem_shared>>
      %dma_wait3A_176 = arith.constant 0 : i32
      %dma_wait3A_177 = tpu.memref_slice %arg5[%dma_wait3A_176] : memref<204800xi32, #tpu.memory_space<vmem_shared>> -> memref<4096xi32, #tpu.memory_space<vmem_shared>>
      tpu.wait_dma2 semaphore(%arg12 : memref<!tpu.dma_semaphore, #tpu.memory_space<semaphore_mem>>) src(%dma_wait3A_177 : memref<4096xi32, #tpu.memory_space<vmem_shared>>) dst(%arg7 : memref<4096xi32, #tpu.memory_space<vmem>>)
      %sub3A = arith.constant 2 : i32
      %sub3A_178 = arith.subi %mul3A_173, %sub3A : i32
      %dma_wait3A_179 = arith.constant 0 : i32
      %dma_wait3A_180 = tpu.memref_slice %arg4[%sub3A_178, %add3A_86, %dma_wait3A_179] : memref<50x64x4096xf32, #tpu.memory_space<hbm>> -> memref<1x1x4096xf32, #tpu.memory_space<hbm>>
      %dma_wait3A_181 = tpu.memref_squeeze %dma_wait3A_180 : memref<1x1x4096xf32, #tpu.memory_space<hbm>> -> memref<4096xf32, #tpu.memory_space<hbm>>
      %dma_wait3A_182 = arith.constant 0 : i32
      %dma_wait3A_183 = tpu.memref_slice %arg4[%sub3A_178, %add3A_86, %dma_wait3A_182] : memref<50x64x4096xf32, #tpu.memory_space<hbm>> -> memref<1x1x4096xf32, #tpu.memory_space<hbm>>
      %dma_wait3A_184 = tpu.memref_squeeze %dma_wait3A_183 : memref<1x1x4096xf32, #tpu.memory_space<hbm>> -> memref<4096xf32, #tpu.memory_space<hbm>>
      tpu.wait_dma2 semaphore(%arg14 : memref<!tpu.dma_semaphore, #tpu.memory_space<semaphore_mem>>) src(%arg9 : memref<4096xf32, #tpu.memory_space<vmem>>) dst(%dma_wait3A_184 : memref<4096xf32, #tpu.memory_space<hbm>>)
      %parallel_loop3A_185 = arith.constant 0 : i32
      %parallel_loop3A_186 = arith.constant 256 : i32
      %parallel_loop3A_187 = arith.constant 1 : i32
      scf.for %parallel_loop3A_232 = %parallel_loop3A_185 to %parallel_loop3A_186 step %parallel_loop3A_187  : i32 {
        %parallel_loop3A_233 = arith.constant 16 : i32
        %parallel_loop3A_234 = arith.muli %parallel_loop3A_232, %parallel_loop3A_233 : i32
        %parallel_loop3A_235 = arith.index_cast %parallel_loop3A_234 : i32 to index
        %parallel_loop3A_236 = tpu.vector_load %arg7[%parallel_loop3A_235] {strides = array<i32>} : memref<4096xi32, #tpu.memory_space<vmem>>, vector<16xi32>,
        %parallel_loop3A_237 = tpu.vector_load_idx %arg6[%parallel_loop3A_236] : memref<100000xf32, #tpu.memory_space<vmem>>[vector<16xi32>], vector<16xf32>,
        %parallel_loop3A_238 = arith.index_cast %parallel_loop3A_234 : i32 to index
        %parallel_loop3A_239 = tpu.vector_load %arg9[%parallel_loop3A_238] {strides = array<i32>} : memref<4096xf32, #tpu.memory_space<vmem>>, vector<16xf32>,
        tpu.vector_store %arg9[%parallel_loop3A_238], %parallel_loop3A_237 {strides = array<i32>} : memref<4096xf32, #tpu.memory_space<vmem>>, vector<16xf32>,
      } {sc.loop_unroll_factor = 16 : i64, sc.parallel_access}
      %dma_start3A_188 = arith.constant 0 : i32
      %dma_start3A_189 = tpu.memref_slice %arg4[%mul3A_173, %add3A_86, %dma_start3A_188] : memref<50x64x4096xf32, #tpu.memory_space<hbm>> -> memref<1x1x4096xf32, #tpu.memory_space<hbm>>
      %dma_start3A_190 = tpu.memref_squeeze %dma_start3A_189 : memref<1x1x4096xf32, #tpu.memory_space<hbm>> -> memref<4096xf32, #tpu.memory_space<hbm>>
      %dma_start3A_191 = arith.constant 0 : i32
      %dma_start3A_192 = tpu.memref_slice %arg4[%mul3A_173, %add3A_86, %dma_start3A_191] : memref<50x64x4096xf32, #tpu.memory_space<hbm>> -> memref<1x1x4096xf32, #tpu.memory_space<hbm>>
      %dma_start3A_193 = tpu.memref_squeeze %dma_start3A_192 : memref<1x1x4096xf32, #tpu.memory_space<hbm>> -> memref<4096xf32, #tpu.memory_space<hbm>>
      tpu.enqueue_dma source(%arg9 : memref<4096xf32, #tpu.memory_space<vmem>>) target(%dma_start3A_193 : memref<4096xf32, #tpu.memory_space<hbm>>) target_semaphore(%arg14 : memref<!tpu.dma_semaphore, #tpu.memory_space<semaphore_mem>>)
      %add3A_194 = arith.constant 2 : i32
      %add3A_195 = arith.addi %mul3A_173, %add3A_194 : i32
      %min3A = arith.constant 49 : i32
      %min3A_196 = arith.minsi %add3A_195, %min3A : i32
      %mul3A_197 = arith.constant 4096 : i32
      %mul3A_198 = arith.muli %min3A_196, %mul3A_197 : i32
      %dma_start3A_199 = tpu.memref_slice %arg5[%mul3A_198] : memref<204800xi32, #tpu.memory_space<vmem_shared>> -> memref<4096xi32, #tpu.memory_space<vmem_shared>>
      %dma_start3A_200 = tpu.memref_slice %arg5[%mul3A_198] : memref<204800xi32, #tpu.memory_space<vmem_shared>> -> memref<4096xi32, #tpu.memory_space<vmem_shared>>
      tpu.enqueue_dma source(%dma_start3A_200 : memref<4096xi32, #tpu.memory_space<vmem_shared>>) target(%arg7 : memref<4096xi32, #tpu.memory_space<vmem>>) target_semaphore(%arg12 : memref<!tpu.dma_semaphore, #tpu.memory_space<semaphore_mem>>)
      %dma_wait3A_201 = arith.constant 0 : i32
      %dma_wait3A_202 = tpu.memref_slice %arg5[%dma_wait3A_201] : memref<204800xi32, #tpu.memory_space<vmem_shared>> -> memref<4096xi32, #tpu.memory_space<vmem_shared>>
      %dma_wait3A_203 = arith.constant 0 : i32
      %dma_wait3A_204 = tpu.memref_slice %arg5[%dma_wait3A_203] : memref<204800xi32, #tpu.memory_space<vmem_shared>> -> memref<4096xi32, #tpu.memory_space<vmem_shared>>
      tpu.wait_dma2 semaphore(%arg13 : memref<!tpu.dma_semaphore, #tpu.memory_space<semaphore_mem>>) src(%dma_wait3A_204 : memref<4096xi32, #tpu.memory_space<vmem_shared>>) dst(%arg8 : memref<4096xi32, #tpu.memory_space<vmem>>)
      %sub3A_205 = arith.constant 1 : i32
      %sub3A_206 = arith.subi %mul3A_173, %sub3A_205 : i32
      %dma_wait3A_207 = arith.constant 0 : i32
      %dma_wait3A_208 = tpu.memref_slice %arg4[%sub3A_206, %add3A_86, %dma_wait3A_207] : memref<50x64x4096xf32, #tpu.memory_space<hbm>> -> memref<1x1x4096xf32, #tpu.memory_space<hbm>>
      %dma_wait3A_209 = tpu.memref_squeeze %dma_wait3A_208 : memref<1x1x4096xf32, #tpu.memory_space<hbm>> -> memref<4096xf32, #tpu.memory_space<hbm>>
      %dma_wait3A_210 = arith.constant 0 : i32
      %dma_wait3A_211 = tpu.memref_slice %arg4[%sub3A_206, %add3A_86, %dma_wait3A_210] : memref<50x64x4096xf32, #tpu.memory_space<hbm>> -> memref<1x1x4096xf32, #tpu.memory_space<hbm>>
      %dma_wait3A_212 = tpu.memref_squeeze %dma_wait3A_211 : memref<1x1x4096xf32, #tpu.memory_space<hbm>> -> memref<4096xf32, #tpu.memory_space<hbm>>
      tpu.wait_dma2 semaphore(%arg15 : memref<!tpu.dma_semaphore, #tpu.memory_space<semaphore_mem>>) src(%arg10 : memref<4096xf32, #tpu.memory_space<vmem>>) dst(%dma_wait3A_212 : memref<4096xf32, #tpu.memory_space<hbm>>)
      %parallel_loop3A_213 = arith.constant 0 : i32
      %parallel_loop3A_214 = arith.constant 256 : i32
      %parallel_loop3A_215 = arith.constant 1 : i32
      scf.for %parallel_loop3A_232 = %parallel_loop3A_213 to %parallel_loop3A_214 step %parallel_loop3A_215  : i32 {
        %parallel_loop3A_233 = arith.constant 16 : i32
        %parallel_loop3A_234 = arith.muli %parallel_loop3A_232, %parallel_loop3A_233 : i32
        %parallel_loop3A_235 = arith.index_cast %parallel_loop3A_234 : i32 to index
        %parallel_loop3A_236 = tpu.vector_load %arg8[%parallel_loop3A_235] {strides = array<i32>} : memref<4096xi32, #tpu.memory_space<vmem>>, vector<16xi32>,
        %parallel_loop3A_237 = tpu.vector_load_idx %arg6[%parallel_loop3A_236] : memref<100000xf32, #tpu.memory_space<vmem>>[vector<16xi32>], vector<16xf32>,
        %parallel_loop3A_238 = arith.index_cast %parallel_loop3A_234 : i32 to index
        %parallel_loop3A_239 = tpu.vector_load %arg10[%parallel_loop3A_238] {strides = array<i32>} : memref<4096xf32, #tpu.memory_space<vmem>>, vector<16xf32>,
        tpu.vector_store %arg10[%parallel_loop3A_238], %parallel_loop3A_237 {strides = array<i32>} : memref<4096xf32, #tpu.memory_space<vmem>>, vector<16xf32>,
      } {sc.loop_unroll_factor = 16 : i64, sc.parallel_access}
      %add3A_216 = arith.constant 1 : i32
      %add3A_217 = arith.addi %mul3A_173, %add3A_216 : i32
      %dma_start3A_218 = arith.constant 0 : i32
      %dma_start3A_219 = tpu.memref_slice %arg4[%add3A_217, %add3A_86, %dma_start3A_218] : memref<50x64x4096xf32, #tpu.memory_space<hbm>> -> memref<1x1x4096xf32, #tpu.memory_space<hbm>>
      %dma_start3A_220 = tpu.memref_squeeze %dma_start3A_219 : memref<1x1x4096xf32, #tpu.memory_space<hbm>> -> memref<4096xf32, #tpu.memory_space<hbm>>
      %dma_start3A_221 = arith.constant 0 : i32
      %dma_start3A_222 = tpu.memref_slice %arg4[%add3A_217, %add3A_86, %dma_start3A_221] : memref<50x64x4096xf32, #tpu.memory_space<hbm>> -> memref<1x1x4096xf32, #tpu.memory_space<hbm>>
      %dma_start3A_223 = tpu.memref_squeeze %dma_start3A_222 : memref<1x1x4096xf32, #tpu.memory_space<hbm>> -> memref<4096xf32, #tpu.memory_space<hbm>>
      tpu.enqueue_dma source(%arg10 : memref<4096xf32, #tpu.memory_space<vmem>>) target(%dma_start3A_223 : memref<4096xf32, #tpu.memory_space<hbm>>) target_semaphore(%arg15 : memref<!tpu.dma_semaphore, #tpu.memory_space<semaphore_mem>>)
      %add3A_224 = arith.constant 3 : i32
      %add3A_225 = arith.addi %mul3A_173, %add3A_224 : i32
      %min3A_226 = arith.constant 49 : i32
      %min3A_227 = arith.minsi %add3A_225, %min3A_226 : i32
      %mul3A_228 = arith.constant 4096 : i32
      %mul3A_229 = arith.muli %min3A_227, %mul3A_228 : i32
      %dma_start3A_230 = tpu.memref_slice %arg5[%mul3A_229] : memref<204800xi32, #tpu.memory_space<vmem_shared>> -> memref<4096xi32, #tpu.memory_space<vmem_shared>>
      %dma_start3A_231 = tpu.memref_slice %arg5[%mul3A_229] : memref<204800xi32, #tpu.memory_space<vmem_shared>> -> memref<4096xi32, #tpu.memory_space<vmem_shared>>
      tpu.enqueue_dma source(%dma_start3A_231 : memref<4096xi32, #tpu.memory_space<vmem_shared>>) target(%arg8 : memref<4096xi32, #tpu.memory_space<vmem>>) target_semaphore(%arg13 : memref<!tpu.dma_semaphore, #tpu.memory_space<semaphore_mem>>)
    }
    %scan3A_148 = arith.constant 24 : i32
    %dma_wait3A_149 = arith.constant 48 : i32
    %dma_wait3A_150 = arith.constant 0 : i32
    %dma_wait3A_151 = tpu.memref_slice %arg4[%dma_wait3A_149, %add3A_86, %dma_wait3A_150] : memref<50x64x4096xf32, #tpu.memory_space<hbm>> -> memref<1x1x4096xf32, #tpu.memory_space<hbm>>
    %dma_wait3A_152 = tpu.memref_squeeze %dma_wait3A_151 : memref<1x1x4096xf32, #tpu.memory_space<hbm>> -> memref<4096xf32, #tpu.memory_space<hbm>>
    %dma_wait3A_153 = arith.constant 0 : i32
    %dma_wait3A_154 = tpu.memref_slice %arg4[%dma_wait3A_149, %add3A_86, %dma_wait3A_153] : memref<50x64x4096xf32, #tpu.memory_space<hbm>> -> memref<1x1x4096xf32, #tpu.memory_space<hbm>>
    %dma_wait3A_155 = tpu.memref_squeeze %dma_wait3A_154 : memref<1x1x4096xf32, #tpu.memory_space<hbm>> -> memref<4096xf32, #tpu.memory_space<hbm>>
    tpu.wait_dma2 semaphore(%arg14 : memref<!tpu.dma_semaphore, #tpu.memory_space<semaphore_mem>>) src(%arg9 : memref<4096xf32, #tpu.memory_space<vmem>>) dst(%dma_wait3A_155 : memref<4096xf32, #tpu.memory_space<hbm>>)
    %dma_wait3A_156 = arith.constant 49 : i32
    %dma_wait3A_157 = arith.constant 0 : i32
    %dma_wait3A_158 = tpu.memref_slice %arg4[%dma_wait3A_156, %add3A_86, %dma_wait3A_157] : memref<50x64x4096xf32, #tpu.memory_space<hbm>> -> memref<1x1x4096xf32, #tpu.memory_space<hbm>>
    %dma_wait3A_159 = tpu.memref_squeeze %dma_wait3A_158 : memref<1x1x4096xf32, #tpu.memory_space<hbm>> -> memref<4096xf32, #tpu.memory_space<hbm>>
    %dma_wait3A_160 = arith.constant 0 : i32
    %dma_wait3A_161 = tpu.memref_slice %arg4[%dma_wait3A_156, %add3A_86, %dma_wait3A_160] : memref<50x64x4096xf32, #tpu.memory_space<hbm>> -> memref<1x1x4096xf32, #tpu.memory_space<hbm>>
    %dma_wait3A_162 = tpu.memref_squeeze %dma_wait3A_161 : memref<1x1x4096xf32, #tpu.memory_space<hbm>> -> memref<4096xf32, #tpu.memory_space<hbm>>
    tpu.wait_dma2 semaphore(%arg15 : memref<!tpu.dma_semaphore, #tpu.memory_space<semaphore_mem>>) src(%arg10 : memref<4096xf32, #tpu.memory_space<vmem>>) dst(%dma_wait3A_162 : memref<4096xf32, #tpu.memory_space<hbm>>)
    %dma_wait3A_163 = arith.constant 0 : i32
    %dma_wait3A_164 = tpu.memref_slice %arg5[%dma_wait3A_163] : memref<204800xi32, #tpu.memory_space<vmem_shared>> -> memref<4096xi32, #tpu.memory_space<vmem_shared>>
    %dma_wait3A_165 = arith.constant 0 : i32
    %dma_wait3A_166 = tpu.memref_slice %arg5[%dma_wait3A_165] : memref<204800xi32, #tpu.memory_space<vmem_shared>> -> memref<4096xi32, #tpu.memory_space<vmem_shared>>
    tpu.wait_dma2 semaphore(%arg12 : memref<!tpu.dma_semaphore, #tpu.memory_space<semaphore_mem>>) src(%dma_wait3A_166 : memref<4096xi32, #tpu.memory_space<vmem_shared>>) dst(%arg7 : memref<4096xi32, #tpu.memory_space<vmem>>)
    %dma_wait3A_167 = arith.constant 0 : i32
    %dma_wait3A_168 = tpu.memref_slice %arg5[%dma_wait3A_167] : memref<204800xi32, #tpu.memory_space<vmem_shared>> -> memref<4096xi32, #tpu.memory_space<vmem_shared>>
    %dma_wait3A_169 = arith.constant 0 : i32
    %dma_wait3A_170 = tpu.memref_slice %arg5[%dma_wait3A_169] : memref<204800xi32, #tpu.memory_space<vmem_shared>> -> memref<4096xi32, #tpu.memory_space<vmem_shared>>
    tpu.wait_dma2 semaphore(%arg13 : memref<!tpu.dma_semaphore, #tpu.memory_space<semaphore_mem>>) src(%dma_wait3A_170 : memref<4096xi32, #tpu.memory_space<vmem_shared>>) dst(%arg8 : memref<4096xi32, #tpu.memory_space<vmem>>)
    return
  }
}

</mosaic_0001>

<sc_bundles>
// kernel: kernel.3.cloned.1.call-start
scs
__scs_entry_jumppad:
0x0: {  	(pc) =	sbr.rel $0x88, $3  }
0x1: {  	(tag) =	ssettag $0x0;
	lr =	simm.s32 $0x1  }
0x2: {  	[smem:$0x3F9F] =	sst lr;
	_ =	strace $0xD0000000  }
0x3: {  	_ = 	snop  }
0x4: {  	_ = 	snop  }
0x5: {  	_ = 	snop  }
0x6: {  	_ = 	snop  }
0x7: {  	_ = 	snop  }
__scs_overlays_trampoline_lowered:
0x8: {  	[smem:$0x3FAE] =	sst s0  }
0x9: {  	[smem:$0x3FAF] =	sst s1  }
0xa: {  	[smem:$0x3FB0] =	sst s2  }
0xb: {  	[smem:$0x3FB1] =	sst s3  }
0xc: {  	[smem:$0x3FB2] =	sst s4  }
0xd: {  	[smem:$0x3FB3] =	sst s5  }
0xe: {  	[smem:$0x3FB4] =	sst s6  }
0xf: {  	[smem:$0x3FB5] =	sst s7  }
0x10: {  	[smem:$0x3FB6] =	sst s8  }
0x11: {  	[smem:$0x3FB7] =	sst s9;
	s0 =	simm.s32 @!p0 $0x0  }
0x12: {  	s1 =	sld [smem:$0x3F9D];
	s0 =	simm.s32 @p0 $0x1  }
0x13: {  	[smem:$0x3FB8] =	sst s0;
	s0 =	simm.s32 @!p1 $0x0  }
0x14: {  	s2 =	sld [smem:$0x3F9C];
	s0 =	simm.s32 @p1 $0x1  }
0x15: {  	[smem:$0x3FB9] =	sst s0;
	s0 =	simm.s32 @!p2 $0x0  }
0x16: {  	s3 =	sld [smem:$0x3FDB];
	s0 =	simm.s32 @p2 $0x1  }
0x17: {  	s4 =	simm.s32 $0x1BF5;
	[smem:$0x3FBB] =	sst s0  }
0x18: {  	s0 =	sld [smem:$0x3F9E];
	_ =	swait.ge [sflag:s4], $0x0  }
0x19: {  	s7 =	sld [smem:$0x3F9F]  }
0x1a: {  	s8 =	sadd.s32 $0xFFFFE003, lr  }
0x1b: {  	s9 =	sadd.s32 $0xFFFFFEF7, lr;
	s5 =	simm.s32 $0xFFFFFFFF;
	p2 =	slt.u32 s8, $0xFFFFF086  }
0x1c: {  	p1 =	slt.u32 s9, $0xF7A;
	s5 =	simm.s32 @!p2 $0x0  }
0x1d: {  	s5 =	simm.s32 @p1 $0x1;
	p0 =	seq.s32 s7, s2  }
0x1e: {  	s7 =	smul.u32 @!p0 $0xF7A, s2;
	p2 =	seq.s32 @!p0 s5, $0x0  }
0x1f: {  	s9 =	smul.u32 $0xF7A, s1;
	s8 =	simm.s32 @!p0 $0x1BF5;
	p2 =	por !p2, p0  }
0x20: {  	[sflag:s8] =	ssyncset.s32 @!p0 $0xFFFFF086;
	s6 =	sadd.s32 @!p0 s3, s7;
	s7 =	simm.s32 @!p0 $0x108  }
0x21: {  	s3 =	sadd.s32 s3, s9;
	s6 =	sadd.s32 @!p0 $0x88, s6;
	s7 =	simm.s32 @p2 $0x1082  }
0x22: {  	[simem:s7], [sflag:s8] =	dma.local @!p0 [hbm:s6], $0xF7A  }
0x23: {  	s9 =	sor.u32 $0xD0000000, s2;
	s6 =	simm.s32 $0x108;
	_ =	swait.ge @!p0 [sflag:s8], $0x0  }
0x24: {  	s3 =	sadd.s32 $0x88, s3;
	s6 =	simm.s32 @!p1 $0x1082;
	[sflag:s4] =	ssyncset.s32 $0xFFFFF086  }
0x25: {  	[simem:s6], [sflag:s4] =	dma.local [hbm:s3], $0xF7A  }
0x26: {  	[smem:$0x3F9F] =	sst s1;
	(tag) =	ssettag s2;
	_ =	strace s9  }
0x27: {  	s1 =	sld [smem:$0x3FAF]  }
0x28: {  	s2 =	sld [smem:$0x3FB0]  }
0x29: {  	s4 =	sld [smem:$0x3FB2]  }
0x2a: {  	p0 =	seq.s32 s5, $0x0;
	s5 =	sld [smem:$0x3FB3]  }
0x2b: {  	s6 =	sld [smem:$0x3FB4]  }
0x2c: {  	s7 =	sld [smem:$0x3FB5]  }
0x2d: {  	s3 =	simm.s32 $0x108;
	s8 =	sld [smem:$0x3FB6]  }
0x2e: {  	s3 =	simm.s32 @!p0 $0x1082;
	s9 =	sld [smem:$0x3FB7]  }
0x2f: {  	lr =	sadd.s32 s0, s3;
	s0 =	sld [smem:$0x3FAE]  }
0x30: {  	s3 =	sld [smem:$0x3FB1]  }
0x31: {  	[smem:$0x3FBA] =	sst s10  }
0x32: {  	s10 =	sld [smem:$0x3FB8];
	_ =	sdelay $0x3  }
0x33: {  	p0 =	seq.s32 s10, $0x1;
	s10 =	sld [smem:$0x3FBA];
	_ =	sdelay $0x3  }
0x34: {  	[smem:$0x3FBA] =	sst s10  }
0x35: {  	s10 =	sld [smem:$0x3FB9];
	_ =	sdelay $0x3  }
0x36: {  	p1 =	seq.s32 s10, $0x1;
	s10 =	sld [smem:$0x3FBA];
	_ =	sdelay $0x3  }
0x37: {  	[smem:$0x3FBA] =	sst s10  }
0x38: {  	s10 =	sld [smem:$0x3FBB]  }
0x39: {  	_ = 	snop;
	(pc) =	sbr.ind lr, $3  }
0x3a: {  	_ = 	snop  }
0x3b: {  	_ = 	snop  }
0x3c: {  	p2 =	seq.s32 s10, $0x1;
	s10 =	sld [smem:$0x3FBA]  }
0x3d: {  	_ =	shalt  }
0x3e: {  	_ =	shalt  }
0x3f: {  	_ =	shalt  }
0x40: {  	_ =	shalt  }
0x41: {  	_ =	shalt  }
0x42: {  	_ =	shalt  }
0x43: {  	_ =	shalt  }
0x44: {  	_ =	shalt  }
0x45: {  	_ =	shalt  }
0x46: {  	_ =	shalt  }
0x47: {  	_ =	shalt  }
0x48: {  	_ =	shalt  }
0x49: {  	_ =	shalt  }
0x4a: {  	_ =	shalt  }
0x4b: {  	_ =	shalt  }
0x4c: {  	_ =	shalt  }
0x4d: {  	_ =	shalt  }
0x4e: {  	_ =	shalt  }
0x4f: {  	_ =	shalt  }
0x50: {  	_ =	shalt  }
0x51: {  	_ =	shalt  }
0x52: {  	_ =	shalt  }
0x53: {  	_ =	shalt  }
0x54: {  	_ =	shalt  }
0x55: {  	_ =	shalt  }
0x56: {  	_ =	shalt  }
0x57: {  	_ =	shalt  }
0x58: {  	_ =	shalt  }
0x59: {  	_ =	shalt  }
0x5a: {  	_ =	shalt  }
0x5b: {  	_ =	shalt  }
0x5c: {  	_ =	shalt  }
0x5d: {  	_ =	shalt  }
0x5e: {  	_ =	shalt  }
0x5f: {  	_ =	shalt  }
0x60: {  	_ =	shalt  }
0x61: {  	_ =	shalt  }
0x62: {  	_ =	shalt  }
0x63: {  	_ =	shalt  }
0x64: {  	_ =	shalt  }
0x65: {  	_ =	shalt  }
0x66: {  	_ =	shalt  }
0x67: {  	_ =	shalt  }
0x68: {  	_ =	shalt  }
0x69: {  	_ =	shalt  }
0x6a: {  	_ =	shalt  }
0x6b: {  	_ =	shalt  }
0x6c: {  	_ =	shalt  }
0x6d: {  	_ =	shalt  }
0x6e: {  	_ =	shalt  }
0x6f: {  	_ =	shalt  }
0x70: {  	_ =	shalt  }
0x71: {  	_ =	shalt  }
0x72: {  	_ =	shalt  }
0x73: {  	_ =	shalt  }
0x74: {  	_ =	shalt  }
0x75: {  	_ =	shalt  }
0x76: {  	_ =	shalt  }
0x77: {  	_ =	shalt  }
0x78: {  	_ =	shalt  }
0x79: {  	_ =	shalt  }
0x7a: {  	_ =	shalt  }
0x7b: {  	_ =	shalt  }
0x7c: {  	_ =	shalt  }
0x7d: {  	_ =	shalt  }
0x7e: {  	_ =	shalt  }
0x7f: {  	_ =	shalt  }
0x80: {  	_ =	shalt  }
0x81: {  	_ =	shalt  }
0x82: {  	_ =	shalt  }
0x83: {  	_ =	shalt  }
0x84: {  	_ =	shalt  }
0x85: {  	_ =	shalt  }
0x86: {  	_ =	shalt  }
0x87: {  	_ =	shalt  }
.Lfunc_end0:
.L_simem_size_0:
called_computation_lowered:
.L_overlay_start_0:
0x88: {  	s2 =	sld [smem:$0x3FD9]  }
0x89: {  	s3 =	sld [smem:$0x3FFE];
	_ =	sdelay $0x1  }
0x8a: {  	s1 =	srdreg.scid  }
0x8b: {  	s0 =	sand.u32 $0x1, s1  }
0x8c: {  	s17 =	sshll.u32 s0, $0xA;
	s2 =	sadd.s32 s3, s2  }
0x8d: {  	s2 =	sadd.s32 s2, s17  }
0x8e: {  	[smem:$0x3FC6] =	sst s2  }
0x8f: {  	_ = 	snop  }
0x90: {  	s2 =	sld [smem:$0x3FC8]  }
0x91: {  	s18 =	sld [smem:$0x3FD0];
	(tm) =	ssettm $0x1  }
0x92: {  	s4 =	sld [smem:$0x3FFB];
	_ =	sdelay $0x3  }
0x93: {  	_ =	strace s4  }
0x94: {  	s4 =	sld [smem:$0x3FFC];
	_ =	sdelay $0x3  }
0x95: {  	_ =	strace s4  }
0x96: {  	s4 =	sld [smem:$0x3FFD];
	_ =	sdelay $0x3  }
0x97: {  	_ =	strace s4  }
0x98: {  	_ =	strace $0x8FFFFFFF  }
0x99: {  	s19 =	sld [smem:$0x3FDB];
	_ =	sdelay $0x1  }
0x9a: {  	s5 =	simm.s32 $_scs_section_size  }
0x9b: {  	s6 =	simm.s32 $_size__tile_overlayer_lowered;
	s7 =	simm.s32 $_tile_overlayer_lowered  }
0x9c: {  	s22 =	simm.s32 $0x1BFF;
	s21 =	sshll.u32 s7, $0x1;
	s4 =	sadd.s32 s5, s19  }
0x9d: {  	s8 =	simm.s32 $0x0;
	s20 =	sshll.u32 s6, $0x1;
	s6 =	sadd.s32 s21, s4  }
0x9e: {  	[timem:s8], [sflag:s22] =	dma.local [hbm:s6], s20  }
0x9f: {  	_ =	swait.ge [sflag:s22], s20  }
0xa0: {  	s5 =	ssub.s32 $0x0, s20;
	[sflag:s22] =	ssyncset.done $0x0  }
0xa1: {  	[sflag:s22] =	ssyncadd.s32 s5;
	_ =	sdelay $0x1  }
0xa2: {  	s23 =	simm.s32 $0x1B8B  }
0xa3: {  	_ =	swait.ge [sflag:s23], $0x1  }
0xa4: {  	[sflag:s23] =	ssyncset.done $0x0  }
0xa5: {  	s25 =	simm.s32 $0x1B8E;
	s24 =	sld [smem:$0x3FFE];
	[sflag:s23] =	ssyncadd.s32 $0xFFFFFFFF  }
0xa6: {  	s26 =	simm.s32 $execute0_lowered;
	[smem:$0x3FD2] =	sst s25  }
0xa7: {  	s6 =	sshll.u32 s26, $0x1;
	_ =	strace $0x80000046;
	[dreg:$0x1] =	wrdreg $0xFFFFFFFF  }
0xa8: {  	s28 =	simm.s32 $_size_execute0_lowered;
	s4 =	sadd.s32 s4, s6;
	[dreg:$0x0] =	wrdreg $0x0  }
0xa9: {  	s6 =	sshll.u32 s28, $0x1;
	[dreg:$0x2] =	wrdreg s4  }
0xaa: {  	[dreg:$0x3] =	wrdreg s6  }
0xab: {  	[dreg:$0x4] =	wrdreg $0xC0  }
0xac: {  	_ =	task [dreg:s8], $0x5FFFF  }
0xad: {  	[dreg:$0x1] =	wrdreg $0xFFFFFFFF  }
0xae: {  	[dreg:$0x0] =	wrdreg $0x60  }
0xaf: {  	[dreg:$0x2] =	wrdreg s24  }
0xb0: {  	[dreg:$0x3] =	wrdreg s2  }
0xb1: {  	[dreg:$0x4] =	wrdreg s18  }
0xb2: {  	[dreg:$0x5] =	wrdreg $0x0  }
0xb3: {  	[dreg:$0x6] =	wrdreg $0x9  }
0xb4: {  	_ =	task.clear_ibuf [dreg:s8], $0x7FFFF;
	_ =	strace $0x90000046  }
0xb5: {  	s29 =	simm.s32 $0x9;
	_ =	strace $0x80000048  }
0xb6: {  	_ =	swait.ge [sflag:s29], $0x1  }
0xb7: {  	[sflag:s29] =	ssyncadd.s32 $0xFFFFFFFF  }
0xb8: {  	_ =	strace $0x90000048  }
0xb9: {  	_ =	sfence  }
0xba: {  	s30 =	sld [smem:$0x0];
	_ =	sdelay $0x2  }
0xbb: {  	s31 =	sshll.u32 s1, $0xD;
	s1 =	sshrl.u32 s1, $0x2  }
0xbc: {  	s3 =	sand.u32 $0x4000, s31;
	s1 =	sadd.s32 s1, s30  }
0xbd: {  	s0 =	sor.u32 s3, s0;
	s1 =	sshll.u32 s1, $0x11  }
0xbe: {  	s0 =	sor.u32 s1, s0  }
0xbf: {  	s0 =	sadd.s32 $0x8F2B, s0  }
0xc0: {  	[sflag:s0] =	ssyncadd.remote.s32 $0x1  }
0xc1: {  	_ =	sfence.sel $0xFFFF  }
0xc2: {  	[dreg:$0x0] =	wrdreg $0xFFFFFFFF;
	(pc) =	sbr.abs _section_cstart, $3  }
0xc3: {  	[dreg:$0x1] =	wrdreg $0xFFFFFFFF  }
0xc4: {  	_ =	task.clear_ibuf [dreg:s8], $0x2FFFF;
	_ =	strace $0x9FFFFFFF  }
0xc5: {  	(tm) =	ssettm $0x7FFFFFFF  }
tec
execute0_lowered:
.L_overlay_start_1:
0x0: {  	(tag) =	ssettag $0x1  }
0x1: {  	s0 =	rddreg [dreg:$0x0]  }
0x2: {  	s4 =	rddreg [dreg:$0x1]  }
0x3: {  	s1 =	rddreg [dreg:$0x2]  }
0x4: {  	s2 =	rddreg [dreg:$0x3];
	s3 =	simm.s32 $0x0  }
0x5: {  	s5 =	srdreg.scid;
	s6 =	stileid.u32;
	s18 =	simm.s32 $0x80  }
0x6: {  	s19 =	simm.s32 $0x400;
	s20 =	simm.s32 $0x3200;
	s28 =	simm.s32 $0x3  }
0x7: {  	s29 =	simm.s32 $0x1E900;
	s30 =	simm.s32 $0x4;
	s31 =	simm.s32 $0x5  }
0x8: {  	[smem:$0x7FF] =	sst s3;
	s5 =	sand.u32 $0x1, s5;
	s7 =	sshrl.u32 s6, $0x2  }
0x9: {  	s8 =	sshll.u32 s6, $0x8;
	s0 =	sadd.s32 $0x400, s0;
	p0 =	sne.s32 s6, $0x0  }
0xa: {  	_ =	strace $0x80000047;
	s9 =	sshll.u32 s5, $0x7;
	s8 =	sand.u32 $0x300, s8  }
0xb: {  	s10 =	smul.u32 $0xC3800, s7;
	[dreg:$0x5] =	wrdreg s0;
	s21 =	ssub.s32 $0x2, s5  }
0xc: {  	s22 =	sshll.u32 s7, $0xF;
	s12 =	sor.u32 $0x4, s7;
	s7 =	sadd.s32 $0x1000, s2  }
0xd: {  	s8 =	sor.u32 s9, s8;
	s5 =	sshrl.u32 s21, $0x1;
	s13 =	smul.u32 $0xC3800, s12  }
0xe: {  	s12 =	sshll.u32 s12, $0xF;
	s9 =	sor.u32 s10, s8;
	s0 =	ssub.s32 s21, s5  }
0xf: {  	s5 =	sor.u32 s22, s8;
	s10 =	sadd.s32 $0x8000, s1;
	s12 =	sor.u32 s8, s12  }
0x10: {  	s21 =	sshrl.u32 @!p0 s2, $0x3;
	s22 =	simm.s32 $0x1B900;
	s9 =	sshrl.u32 s9, $0x3  }
0x11: {  	s11 =	sshrl.u32 s5, $0x3;
	s24 =	sor.u32 s8, s13;
	s13 =	sadd.s32 $0x3000, s2  }
0x12: {  	s26 =	sshrl.u32 s12, $0x3;
	s17 =	smax.u32 s0, $0x1;
	s9 =	sadd.s32 s4, s9  }
0x13: {  	s23 =	sadd.s32 s1, s11;
	s11 =	sadd.s32 s11, s10;
	s25 =	sshrl.u32 s24, $0x3  }
0x14: {  	s15 =	sadd.s32 s1, s26;
	s16 =	sadd.s32 s26, s10;
	[dreg:$0x6] =	wrdreg s9  }
0x15: {  	s24 =	simm.s32 $0x1;
	s26 =	simm.s32 $0x1D900;
	[dreg:$0x7] =	wrdreg s23  }
0x16: {  	s9 =	sadd.s32 $0x2000, s2;
	[dreg:$0x8] =	wrdreg s11;
	s4 =	sadd.s32 s4, s25  }
0x17: {  	s23 =	simm.s32 $0x1C900;
	s25 =	simm.s32 $0x2;
	[dreg:$0x9] =	wrdreg s4  }
.LBB2_1:
0x18: {  	s0 =	rddreg [dreg:$0x6]  }
0x19: {  	[tilespmem:s20], [sflag:$0x1] =	stream.strided.gather [hbm4b:s0+s18], $0x18700, s19, s18, $0x38;
	[tilespmem:$0x1F900] =	vst v63  }
0x1a: {  	s4 =	rddreg [dreg:$0x5];
	s0 =	simm.s32 @!p0 $0x1C06  }
0x1b: {  	[spmem:s21], [sflag:s0] =	dma.local @!p0 [hbm:s4], $0x6400  }
0x1c: {  	s0 =	simm.s32 @!p0 $0x6  }
0x1d: {  	_ =	swait.ge @!p0 [sflag:s0], $0x6400  }
0x1e: {  	[sflag:s0] =	ssyncset.done @!p0 $0x0  }
0x1f: {  	[sflag:s0] =	ssyncadd.s32 @!p0 $0xFFFF9C00  }
0x20: {  	[bflag:$0x0] =	sbarrier.arrive $0xFFFF  }
0x21: {  	[tilespmem:s22], [sflag:$0x2] =	stream.linear.gather [spmem:s2], $0x1000, $0x38;
	[tilespmem:$0x1F900] =	vst v63  }
0x22: {  	_ = 	snop  }
0x23: {  	[tilespmem:s23], [sflag:$0x3] =	stream.linear.gather [spmem:s7], $0x1000, $0x38;
	[tilespmem:$0x1F900] =	vst v63  }
0x24: {  	_ =	swait.ge [sflag:s24], $0x18700  }
0x25: {  	[sflag:s24] =	ssyncset.done $0x0  }
0x26: {  	[sflag:s24] =	ssyncadd.s32 $0xFFFE7900  }
0x27: {  	_ =	swait.ge [sflag:s25], $0x1000  }
0x28: {  	[sflag:s25] =	ssyncset.done $0x0  }
0x29: {  	s14 =	simm.s32 $0x1B980;
	[sflag:s25] =	ssyncadd.s32 $0xFFFFF000  }
0x2a: {  	v0 =	vld [tilespmem:s14+$0x70]  }
0x2b: {  	v1 =	vld [tilespmem:s14+$0xFFFFFF90]  }
0x2c: {  	v2 =	vld [tilespmem:s14+$0xFFFFFFA0]  }
0x2d: {  	v3 =	vld [tilespmem:s14+$0xFFFFFFB0]  }
0x2e: {  	v4 =	vld [tilespmem:s14+$0xFFFFFFC0]  }
0x2f: {  	v5 =	vld [tilespmem:s14+$0xFFFFFFD0]  }
0x30: {  	v6 =	vld [tilespmem:s14+$0xFFFFFFE0]  }
0x31: {  	v7 =	vld [tilespmem:s14+$0xFFFFFFF0]  }
0x32: {  	v8 =	vld [tilespmem:s14+$0x0]  }
0x33: {  	v9 =	vld [tilespmem:s14+$0x10]  }
0x34: {  	v10 =	vld [tilespmem:s14+$0x20]  }
0x35: {  	v11 =	vld [tilespmem:s14+$0x30]  }
0x36: {  	v12 =	vld [tilespmem:s14+$0x40]  }
0x37: {  	v13 =	vld [tilespmem:s14+$0x50]  }
0x38: {  	v14 =	vld [tilespmem:s14+$0x60]  }
0x39: {  	v15 =	vld [tilespmem:s14+$0xFFFFFF80]  }
0x3a: {  	v0 =	vld.idx.msk [tilespmem:v0+s20+$0x0], $0xffff  }
0x3b: {  	v1 =	vld.idx.msk [tilespmem:v1+s20+$0x0], $0xffff  }
0x3c: {  	v2 =	vld.idx.msk [tilespmem:v2+s20+$0x0], $0xffff  }
0x3d: {  	v3 =	vld.idx.msk [tilespmem:v3+s20+$0x0], $0xffff  }
0x3e: {  	v4 =	vld.idx.msk [tilespmem:v4+s20+$0x0], $0xffff  }
0x3f: {  	s0 =	simm.s32 $0x1D980;
	v5 =	vld.idx.msk [tilespmem:v5+s20+$0x0], $0xffff  }
0x40: {  	v6 =	vld.idx.msk [tilespmem:v6+s20+$0x0], $0xffff;
	[tilespmem:s0+$0x70] =	vst v0  }
0x41: {  	v7 =	vld.idx.msk [tilespmem:v7+s20+$0x0], $0xffff;
	[tilespmem:s0+$0xFFFFFF90] =	vst v1  }
0x42: {  	v15 =	vld.idx.msk [tilespmem:v15+s20+$0x0], $0xffff;
	[tilespmem:s0+$0xFFFFFFA0] =	vst v2  }
0x43: {  	v8 =	vld.idx.msk [tilespmem:v8+s20+$0x0], $0xffff;
	[tilespmem:s0+$0xFFFFFFB0] =	vst v3  }
0x44: {  	[tilespmem:s0+$0xFFFFFFC0] =	vst v4;
	v0 =	vld.idx.msk [tilespmem:v9+s20+$0x0], $0xffff  }
0x45: {  	[tilespmem:s0+$0xFFFFFFD0] =	vst v5;
	v1 =	vld.idx.msk [tilespmem:v10+s20+$0x0], $0xffff  }
0x46: {  	[tilespmem:s0+$0xFFFFFFE0] =	vst v6;
	v2 =	vld.idx.msk [tilespmem:v11+s20+$0x0], $0xffff  }
0x47: {  	[tilespmem:s0+$0xFFFFFFF0] =	vst v7;
	v3 =	vld.idx.msk [tilespmem:v12+s20+$0x0], $0xffff  }
0x48: {  	[tilespmem:s0+$0xFFFFFF80] =	vst v15;
	v4 =	vld.idx.msk [tilespmem:v13+s20+$0x0], $0xffff  }
0x49: {  	s6 =	simm.s32 $0x1BA80;
	s4 =	simm.s32 $0x0;
	[tilespmem:s0+$0x0] =	vst v8;
	v5 =	vld.idx.msk [tilespmem:v14+s20+$0x0], $0xffff  }
.LBB2_2:
0x4a: {  	v6 =	vld [tilespmem:s6+$0x70];
	s4 =	sadd.s32 $0x10, s4;
	[tilespmem:s0+$0x10] =	vst v0  }
0x4b: {  	v0 =	vld [tilespmem:s6+$0xFFFFFF90];
	p1 =	slt.u32 s4, $0xF0;
	[tilespmem:s0+$0x20] =	vst v1  }
0x4c: {  	v1 =	vld [tilespmem:s6+$0xFFFFFFA0];
	[tilespmem:s0+$0x30] =	vst v2  }
0x4d: {  	v2 =	vld [tilespmem:s6+$0xFFFFFFB0];
	[tilespmem:s0+$0x40] =	vst v3  }
0x4e: {  	v3 =	vld [tilespmem:s6+$0xFFFFFFC0];
	[tilespmem:s0+$0x50] =	vst v4  }
0x4f: {  	v4 =	vld [tilespmem:s6+$0xFFFFFFD0];
	[tilespmem:s0+$0x60] =	vst v5  }
0x50: {  	v5 =	vld [tilespmem:s6+$0xFFFFFFE0]  }
0x51: {  	v7 =	vld [tilespmem:s6+$0xFFFFFFF0]  }
0x52: {  	v6 =	vld.idx.msk [tilespmem:v6+s20+$0x0], $0xffff  }
0x53: {  	v8 =	vld [tilespmem:s6+$0x0]  }
0x54: {  	v9 =	vld [tilespmem:s6+$0x10]  }
0x55: {  	v10 =	vld [tilespmem:s6+$0x20]  }
0x56: {  	v11 =	vld [tilespmem:s6+$0x30]  }
0x57: {  	s0 =	sadd.s32 $0x100, s0;
	v12 =	vld [tilespmem:s6+$0x40]  }
0x58: {  	v13 =	vld [tilespmem:s6+$0x50];
	[tilespmem:s0+$0x70] =	vst v6  }
0x59: {  	v6 =	vld [tilespmem:s6+$0x60]  }
0x5a: {  	v14 =	vld [tilespmem:s6+$0xFFFFFF80]  }
0x5b: {  	v0 =	vld.idx.msk [tilespmem:v0+s20+$0x0], $0xffff  }
0x5c: {  	v1 =	vld.idx.msk [tilespmem:v1+s20+$0x0], $0xffff  }
0x5d: {  	v2 =	vld.idx.msk [tilespmem:v2+s20+$0x0], $0xffff  }
0x5e: {  	v3 =	vld.idx.msk [tilespmem:v3+s20+$0x0], $0xffff  }
0x5f: {  	v4 =	vld.idx.msk [tilespmem:v4+s20+$0x0], $0xffff  }
0x60: {  	v5 =	vld.idx.msk [tilespmem:v5+s20+$0x0], $0xffff  }
0x61: {  	[tilespmem:s0+$0xFFFFFF90] =	vst v0;
	v7 =	vld.idx.msk [tilespmem:v7+s20+$0x0], $0xffff  }
0x62: {  	v14 =	vld.idx.msk [tilespmem:v14+s20+$0x0], $0xffff;
	[tilespmem:s0+$0xFFFFFFA0] =	vst v1  }
0x63: {  	[tilespmem:s0+$0xFFFFFFB0] =	vst v2;
	v8 =	vld.idx.msk [tilespmem:v8+s20+$0x0], $0xffff  }
0x64: {  	[tilespmem:s0+$0xFFFFFFC0] =	vst v3;
	v0 =	vld.idx.msk [tilespmem:v9+s20+$0x0], $0xffff  }
.Ltmp0:
0x65: {  	[tilespmem:s0+$0xFFFFFFD0] =	vst v4;
	v1 =	vld.idx.msk [tilespmem:v10+s20+$0x0], $0xffff;
	(pc) =	sbr.rel @p1 .LBB2_2-.Ltmp0, $4  }
0x66: {  	[tilespmem:s0+$0xFFFFFFE0] =	vst v5;
	v2 =	vld.idx.msk [tilespmem:v11+s20+$0x0], $0xffff  }
0x67: {  	[tilespmem:s0+$0xFFFFFFF0] =	vst v7;
	v3 =	vld.idx.msk [tilespmem:v12+s20+$0x0], $0xffff  }
0x68: {  	[tilespmem:s0+$0xFFFFFF80] =	vst v14;
	v4 =	vld.idx.msk [tilespmem:v13+s20+$0x0], $0xffff  }
0x69: {  	s6 =	sadd.s32 $0x100, s6;
	[tilespmem:s0+$0x0] =	vst v8;
	v5 =	vld.idx.msk [tilespmem:v6+s20+$0x0], $0xffff  }
0x6a: {  	[tilespmem:s0+$0x10] =	vst v0  }
0x6b: {  	[tilespmem:s0+$0x20] =	vst v1  }
0x6c: {  	[tilespmem:s0+$0x30] =	vst v2  }
0x6d: {  	[tilespmem:s0+$0x40] =	vst v3  }
0x6e: {  	[tilespmem:s0+$0x50] =	vst v4  }
0x6f: {  	[tilespmem:s0+$0x60] =	vst v5  }
0x70: {  	s0 =	rddreg [dreg:$0x7]  }
0x71: {  	[hbm4b:s0+s18] =	stream.strided.scatter [tilespmem:s26], [sflag:$0x4], $0x1000, s19, s18, $0x38;
	[tilespmem:$0x1F900] =	vst v63  }
0x72: {  	_ = 	snop  }
0x73: {  	[tilespmem:s22], [sflag:$0x2] =	stream.linear.gather [spmem:s9], $0x1000, $0x38;
	[tilespmem:$0x1F900] =	vst v63  }
0x74: {  	_ =	swait.ge [sflag:s28], $0x1000  }
0x75: {  	[sflag:s28] =	ssyncset.done $0x0  }
0x76: {  	s14 =	simm.s32 $0x1C980;
	[sflag:s28] =	ssyncadd.s32 $0xFFFFF000  }
0x77: {  	v0 =	vld [tilespmem:s14+$0x70]  }
0x78: {  	v1 =	vld [tilespmem:s14+$0xFFFFFF90]  }
0x79: {  	v2 =	vld [tilespmem:s14+$0xFFFFFFA0]  }
0x7a: {  	v3 =	vld [tilespmem:s14+$0xFFFFFFB0]  }
0x7b: {  	v4 =	vld [tilespmem:s14+$0xFFFFFFC0]  }
0x7c: {  	v5 =	vld [tilespmem:s14+$0xFFFFFFD0]  }
0x7d: {  	v6 =	vld [tilespmem:s14+$0xFFFFFFE0]  }
0x7e: {  	v7 =	vld [tilespmem:s14+$0xFFFFFFF0]  }
0x7f: {  	v8 =	vld [tilespmem:s14+$0x0]  }
0x80: {  	v9 =	vld [tilespmem:s14+$0x10]  }
0x81: {  	v10 =	vld [tilespmem:s14+$0x20]  }
0x82: {  	v11 =	vld [tilespmem:s14+$0x30]  }
0x83: {  	v12 =	vld [tilespmem:s14+$0x40]  }
0x84: {  	v13 =	vld [tilespmem:s14+$0x50]  }
0x85: {  	v14 =	vld [tilespmem:s14+$0x60]  }
0x86: {  	v15 =	vld [tilespmem:s14+$0xFFFFFF80]  }
0x87: {  	v0 =	vld.idx.msk [tilespmem:v0+s20+$0x0], $0xffff  }
0x88: {  	v1 =	vld.idx.msk [tilespmem:v1+s20+$0x0], $0xffff  }
0x89: {  	v2 =	vld.idx.msk [tilespmem:v2+s20+$0x0], $0xffff  }
0x8a: {  	v3 =	vld.idx.msk [tilespmem:v3+s20+$0x0], $0xffff  }
0x8b: {  	v4 =	vld.idx.msk [tilespmem:v4+s20+$0x0], $0xffff  }
0x8c: {  	s0 =	simm.s32 $0x1E980;
	v5 =	vld.idx.msk [tilespmem:v5+s20+$0x0], $0xffff  }
0x8d: {  	v6 =	vld.idx.msk [tilespmem:v6+s20+$0x0], $0xffff;
	[tilespmem:s0+$0x70] =	vst v0  }
0x8e: {  	v7 =	vld.idx.msk [tilespmem:v7+s20+$0x0], $0xffff;
	[tilespmem:s0+$0xFFFFFF90] =	vst v1  }
0x8f: {  	v15 =	vld.idx.msk [tilespmem:v15+s20+$0x0], $0xffff;
	[tilespmem:s0+$0xFFFFFFA0] =	vst v2  }
0x90: {  	v8 =	vld.idx.msk [tilespmem:v8+s20+$0x0], $0xffff;
	[tilespmem:s0+$0xFFFFFFB0] =	vst v3  }
0x91: {  	[tilespmem:s0+$0xFFFFFFC0] =	vst v4;
	v0 =	vld.idx.msk [tilespmem:v9+s20+$0x0], $0xffff  }
0x92: {  	[tilespmem:s0+$0xFFFFFFD0] =	vst v5;
	v1 =	vld.idx.msk [tilespmem:v10+s20+$0x0], $0xffff  }
0x93: {  	[tilespmem:s0+$0xFFFFFFE0] =	vst v6;
	v2 =	vld.idx.msk [tilespmem:v11+s20+$0x0], $0xffff  }
0x94: {  	[tilespmem:s0+$0xFFFFFFF0] =	vst v7;
	v3 =	vld.idx.msk [tilespmem:v12+s20+$0x0], $0xffff  }
0x95: {  	[tilespmem:s0+$0xFFFFFF80] =	vst v15;
	v4 =	vld.idx.msk [tilespmem:v13+s20+$0x0], $0xffff  }
0x96: {  	s4 =	simm.s32 $0x0;
	s6 =	simm.s32 $0x1CA80;
	[tilespmem:s0+$0x0] =	vst v8;
	v5 =	vld.idx.msk [tilespmem:v14+s20+$0x0], $0xffff  }
.LBB2_4:
0x97: {  	v6 =	vld [tilespmem:s6+$0x70];
	s4 =	sadd.s32 $0x10, s4;
	[tilespmem:s0+$0x10] =	vst v0  }
0x98: {  	v0 =	vld [tilespmem:s6+$0xFFFFFF90];
	p1 =	slt.u32 s4, $0xF0;
	[tilespmem:s0+$0x20] =	vst v1  }
0x99: {  	v1 =	vld [tilespmem:s6+$0xFFFFFFA0];
	[tilespmem:s0+$0x30] =	vst v2  }
0x9a: {  	v2 =	vld [tilespmem:s6+$0xFFFFFFB0];
	[tilespmem:s0+$0x40] =	vst v3  }
0x9b: {  	v3 =	vld [tilespmem:s6+$0xFFFFFFC0];
	[tilespmem:s0+$0x50] =	vst v4  }
0x9c: {  	v4 =	vld [tilespmem:s6+$0xFFFFFFD0];
	[tilespmem:s0+$0x60] =	vst v5  }
0x9d: {  	v5 =	vld [tilespmem:s6+$0xFFFFFFE0]  }
0x9e: {  	v7 =	vld [tilespmem:s6+$0xFFFFFFF0]  }
0x9f: {  	v6 =	vld.idx.msk [tilespmem:v6+s20+$0x0], $0xffff  }
0xa0: {  	v8 =	vld [tilespmem:s6+$0x0]  }
0xa1: {  	v9 =	vld [tilespmem:s6+$0x10]  }
0xa2: {  	v10 =	vld [tilespmem:s6+$0x20]  }
0xa3: {  	v11 =	vld [tilespmem:s6+$0x30]  }
0xa4: {  	s0 =	sadd.s32 $0x100, s0;
	v12 =	vld [tilespmem:s6+$0x40]  }
0xa5: {  	v13 =	vld [tilespmem:s6+$0x50];
	[tilespmem:s0+$0x70] =	vst v6  }
0xa6: {  	v6 =	vld [tilespmem:s6+$0x60]  }
0xa7: {  	v14 =	vld [tilespmem:s6+$0xFFFFFF80]  }
0xa8: {  	v0 =	vld.idx.msk [tilespmem:v0+s20+$0x0], $0xffff  }
0xa9: {  	v1 =	vld.idx.msk [tilespmem:v1+s20+$0x0], $0xffff  }
0xaa: {  	v2 =	vld.idx.msk [tilespmem:v2+s20+$0x0], $0xffff  }
0xab: {  	v3 =	vld.idx.msk [tilespmem:v3+s20+$0x0], $0xffff  }
0xac: {  	v4 =	vld.idx.msk [tilespmem:v4+s20+$0x0], $0xffff  }
0xad: {  	v5 =	vld.idx.msk [tilespmem:v5+s20+$0x0], $0xffff  }
0xae: {  	[tilespmem:s0+$0xFFFFFF90] =	vst v0;
	v7 =	vld.idx.msk [tilespmem:v7+s20+$0x0], $0xffff  }
0xaf: {  	v14 =	vld.idx.msk [tilespmem:v14+s20+$0x0], $0xffff;
	[tilespmem:s0+$0xFFFFFFA0] =	vst v1  }
0xb0: {  	[tilespmem:s0+$0xFFFFFFB0] =	vst v2;
	v8 =	vld.idx.msk [tilespmem:v8+s20+$0x0], $0xffff  }
0xb1: {  	[tilespmem:s0+$0xFFFFFFC0] =	vst v3;
	v0 =	vld.idx.msk [tilespmem:v9+s20+$0x0], $0xffff  }
.Ltmp1:
0xb2: {  	[tilespmem:s0+$0xFFFFFFD0] =	vst v4;
	v1 =	vld.idx.msk [tilespmem:v10+s20+$0x0], $0xffff;
	(pc) =	sbr.rel @p1 .LBB2_4-.Ltmp1, $4  }
0xb3: {  	[tilespmem:s0+$0xFFFFFFE0] =	vst v5;
	v2 =	vld.idx.msk [tilespmem:v11+s20+$0x0], $0xffff  }
0xb4: {  	[tilespmem:s0+$0xFFFFFFF0] =	vst v7;
	v3 =	vld.idx.msk [tilespmem:v12+s20+$0x0], $0xffff  }
0xb5: {  	[tilespmem:s0+$0xFFFFFF80] =	vst v14;
	v4 =	vld.idx.msk [tilespmem:v13+s20+$0x0], $0xffff  }
0xb6: {  	s6 =	sadd.s32 $0x100, s6;
	[tilespmem:s0+$0x0] =	vst v8;
	v5 =	vld.idx.msk [tilespmem:v6+s20+$0x0], $0xffff  }
0xb7: {  	[tilespmem:s0+$0x10] =	vst v0  }
0xb8: {  	[tilespmem:s0+$0x20] =	vst v1  }
0xb9: {  	[tilespmem:s0+$0x30] =	vst v2  }
0xba: {  	[tilespmem:s0+$0x40] =	vst v3  }
0xbb: {  	[tilespmem:s0+$0x50] =	vst v4  }
0xbc: {  	[tilespmem:s0+$0x60] =	vst v5  }
0xbd: {  	s0 =	rddreg [dreg:$0x8]  }
0xbe: {  	[hbm4b:s0+s18] =	stream.strided.scatter [tilespmem:s29], [sflag:$0x5], $0x1000, s19, s18, $0x38;
	[tilespmem:$0x1F900] =	vst v63  }
0xbf: {  	s0 =	simm.s32 $0x1  }
0xc0: {  	[tilespmem:s23], [sflag:$0x3] =	stream.linear.gather [spmem:s13], $0x1000, $0x38;
	[tilespmem:$0x1F900] =	vst v63  }
.LBB2_6:
0xc1: {  	_ =	swait.ge [sflag:s25], $0x1000  }
0xc2: {  	[sflag:s25] =	ssyncset.done $0x0  }
0xc3: {  	[sflag:s25] =	ssyncadd.s32 $0xFFFFF000  }
0xc4: {  	_ =	swait.ge [sflag:s30], $0x1000  }
0xc5: {  	[sflag:s30] =	ssyncset.done $0x0  }
0xc6: {  	s4 =	simm.s32 $0x1B980;
	[sflag:s30] =	ssyncadd.s32 $0xFFFFF000  }
0xc7: {  	v0 =	vld [tilespmem:s4+$0x70]  }
0xc8: {  	v1 =	vld [tilespmem:s4+$0xFFFFFF90]  }
0xc9: {  	v2 =	vld [tilespmem:s4+$0xFFFFFFA0]  }
0xca: {  	v3 =	vld [tilespmem:s4+$0xFFFFFFB0]  }
0xcb: {  	v4 =	vld [tilespmem:s4+$0xFFFFFFC0]  }
0xcc: {  	v5 =	vld [tilespmem:s4+$0xFFFFFFD0]  }
0xcd: {  	v6 =	vld [tilespmem:s4+$0xFFFFFFE0]  }
0xce: {  	v7 =	vld [tilespmem:s4+$0xFFFFFFF0]  }
0xcf: {  	v8 =	vld [tilespmem:s4+$0x0]  }
0xd0: {  	v9 =	vld [tilespmem:s4+$0x10]  }
0xd1: {  	v10 =	vld [tilespmem:s4+$0x20]  }
0xd2: {  	v11 =	vld [tilespmem:s4+$0x30]  }
0xd3: {  	v12 =	vld [tilespmem:s4+$0x40]  }
0xd4: {  	v13 =	vld [tilespmem:s4+$0x50]  }
0xd5: {  	v14 =	vld [tilespmem:s4+$0x60]  }
0xd6: {  	v15 =	vld [tilespmem:s4+$0xFFFFFF80]  }
0xd7: {  	v0 =	vld.idx.msk [tilespmem:v0+s20+$0x0], $0xffff  }
0xd8: {  	v1 =	vld.idx.msk [tilespmem:v1+s20+$0x0], $0xffff  }
0xd9: {  	v2 =	vld.idx.msk [tilespmem:v2+s20+$0x0], $0xffff  }
0xda: {  	v3 =	vld.idx.msk [tilespmem:v3+s20+$0x0], $0xffff  }
0xdb: {  	v4 =	vld.idx.msk [tilespmem:v4+s20+$0x0], $0xffff  }
0xdc: {  	s4 =	simm.s32 $0x1D980;
	v5 =	vld.idx.msk [tilespmem:v5+s20+$0x0], $0xffff  }
0xdd: {  	v6 =	vld.idx.msk [tilespmem:v6+s20+$0x0], $0xffff;
	[tilespmem:s4+$0x70] =	vst v0  }
0xde: {  	v7 =	vld.idx.msk [tilespmem:v7+s20+$0x0], $0xffff;
	[tilespmem:s4+$0xFFFFFF90] =	vst v1  }
0xdf: {  	v15 =	vld.idx.msk [tilespmem:v15+s20+$0x0], $0xffff;
	[tilespmem:s4+$0xFFFFFFA0] =	vst v2  }
0xe0: {  	v8 =	vld.idx.msk [tilespmem:v8+s20+$0x0], $0xffff;
	[tilespmem:s4+$0xFFFFFFB0] =	vst v3  }
0xe1: {  	[tilespmem:s4+$0xFFFFFFC0] =	vst v4;
	v0 =	vld.idx.msk [tilespmem:v9+s20+$0x0], $0xffff  }
0xe2: {  	[tilespmem:s4+$0xFFFFFFD0] =	vst v5;
	v1 =	vld.idx.msk [tilespmem:v10+s20+$0x0], $0xffff  }
0xe3: {  	[tilespmem:s4+$0xFFFFFFE0] =	vst v6;
	v2 =	vld.idx.msk [tilespmem:v11+s20+$0x0], $0xffff  }
0xe4: {  	[tilespmem:s4+$0xFFFFFFF0] =	vst v7;
	v3 =	vld.idx.msk [tilespmem:v12+s20+$0x0], $0xffff  }
0xe5: {  	[tilespmem:s4+$0xFFFFFF80] =	vst v15;
	v4 =	vld.idx.msk [tilespmem:v13+s20+$0x0], $0xffff  }
0xe6: {  	s6 =	simm.s32 $0x0;
	s8 =	simm.s32 $0x1BA80;
	[tilespmem:s4+$0x0] =	vst v8;
	v5 =	vld.idx.msk [tilespmem:v14+s20+$0x0], $0xffff  }
.LBB2_7:
0xe7: {  	v6 =	vld [tilespmem:s8+$0x70];
	s6 =	sadd.s32 $0x10, s6;
	[tilespmem:s4+$0x10] =	vst v0  }
0xe8: {  	v0 =	vld [tilespmem:s8+$0xFFFFFF90];
	p1 =	slt.u32 s6, $0xF0;
	[tilespmem:s4+$0x20] =	vst v1  }
0xe9: {  	v1 =	vld [tilespmem:s8+$0xFFFFFFA0];
	[tilespmem:s4+$0x30] =	vst v2  }
0xea: {  	v2 =	vld [tilespmem:s8+$0xFFFFFFB0];
	[tilespmem:s4+$0x40] =	vst v3  }
0xeb: {  	v3 =	vld [tilespmem:s8+$0xFFFFFFC0];
	[tilespmem:s4+$0x50] =	vst v4  }
0xec: {  	v4 =	vld [tilespmem:s8+$0xFFFFFFD0];
	[tilespmem:s4+$0x60] =	vst v5  }
0xed: {  	v5 =	vld [tilespmem:s8+$0xFFFFFFE0]  }
0xee: {  	v7 =	vld [tilespmem:s8+$0xFFFFFFF0]  }
0xef: {  	v6 =	vld.idx.msk [tilespmem:v6+s20+$0x0], $0xffff  }
0xf0: {  	v8 =	vld [tilespmem:s8+$0x0]  }
0xf1: {  	v9 =	vld [tilespmem:s8+$0x10]  }
0xf2: {  	v10 =	vld [tilespmem:s8+$0x20]  }
0xf3: {  	v11 =	vld [tilespmem:s8+$0x30]  }
0xf4: {  	s4 =	sadd.s32 $0x100, s4;
	v12 =	vld [tilespmem:s8+$0x40]  }
0xf5: {  	v13 =	vld [tilespmem:s8+$0x50];
	[tilespmem:s4+$0x70] =	vst v6  }
0xf6: {  	v6 =	vld [tilespmem:s8+$0x60]  }
0xf7: {  	v14 =	vld [tilespmem:s8+$0xFFFFFF80]  }
0xf8: {  	v0 =	vld.idx.msk [tilespmem:v0+s20+$0x0], $0xffff  }
0xf9: {  	v1 =	vld.idx.msk [tilespmem:v1+s20+$0x0], $0xffff  }
0xfa: {  	v2 =	vld.idx.msk [tilespmem:v2+s20+$0x0], $0xffff  }
0xfb: {  	v3 =	vld.idx.msk [tilespmem:v3+s20+$0x0], $0xffff  }
0xfc: {  	v4 =	vld.idx.msk [tilespmem:v4+s20+$0x0], $0xffff  }
0xfd: {  	v5 =	vld.idx.msk [tilespmem:v5+s20+$0x0], $0xffff  }
0xfe: {  	[tilespmem:s4+$0xFFFFFF90] =	vst v0;
	v7 =	vld.idx.msk [tilespmem:v7+s20+$0x0], $0xffff  }
0xff: {  	v14 =	vld.idx.msk [tilespmem:v14+s20+$0x0], $0xffff;
	[tilespmem:s4+$0xFFFFFFA0] =	vst v1  }
0x100: {  	[tilespmem:s4+$0xFFFFFFB0] =	vst v2;
	v8 =	vld.idx.msk [tilespmem:v8+s20+$0x0], $0xffff  }
0x101: {  	[tilespmem:s4+$0xFFFFFFC0] =	vst v3;
	v0 =	vld.idx.msk [tilespmem:v9+s20+$0x0], $0xffff  }
.Ltmp2:
0x102: {  	[tilespmem:s4+$0xFFFFFFD0] =	vst v4;
	v1 =	vld.idx.msk [tilespmem:v10+s20+$0x0], $0xffff;
	(pc) =	sbr.rel @p1 .LBB2_7-.Ltmp2, $4  }
0x103: {  	[tilespmem:s4+$0xFFFFFFE0] =	vst v5;
	v2 =	vld.idx.msk [tilespmem:v11+s20+$0x0], $0xffff  }
0x104: {  	[tilespmem:s4+$0xFFFFFFF0] =	vst v7;
	v3 =	vld.idx.msk [tilespmem:v12+s20+$0x0], $0xffff  }
0x105: {  	[tilespmem:s4+$0xFFFFFF80] =	vst v14;
	v4 =	vld.idx.msk [tilespmem:v13+s20+$0x0], $0xffff  }
0x106: {  	s8 =	sadd.s32 $0x100, s8;
	[tilespmem:s4+$0x0] =	vst v8;
	v5 =	vld.idx.msk [tilespmem:v6+s20+$0x0], $0xffff  }
0x107: {  	[tilespmem:s4+$0x10] =	vst v0  }
0x108: {  	[tilespmem:s4+$0x20] =	vst v1  }
0x109: {  	s6 =	sshll.u32 s0, $0x13;
	[tilespmem:s4+$0x30] =	vst v2  }
0x10a: {  	s6 =	sor.u32 s5, s6;
	[tilespmem:s4+$0x40] =	vst v3  }
0x10b: {  	s6 =	sshrl.u32 s6, $0x3;
	[tilespmem:s4+$0x50] =	vst v4  }
0x10c: {  	s8 =	sadd.s32 s1, s6;
	[tilespmem:s4+$0x60] =	vst v5;
	s4 =	sshll.u32 s0, $0x1  }
0x10d: {  	[hbm4b:s8+s18] =	stream.strided.scatter [tilespmem:s26], [sflag:$0x4], $0x1000, s19, s18, $0x38;
	[tilespmem:$0x1F900] =	vst v63  }
0x10e: {  	s11 =	smin.u32 s4, $0x2F  }
0x10f: {  	s8 =	sshll.u32 s11, $0xC  }
0x110: {  	s8 =	sadd.s32 s8, s2  }
0x111: {  	s8 =	sadd.s32 $0x2000, s8  }
0x112: {  	[tilespmem:s22], [sflag:$0x2] =	stream.linear.gather [spmem:s8], $0x1000, $0x38;
	[tilespmem:$0x1F900] =	vst v63  }
0x113: {  	_ =	swait.ge [sflag:s28], $0x1000  }
0x114: {  	[sflag:s28] =	ssyncset.done $0x0  }
0x115: {  	[sflag:s28] =	ssyncadd.s32 $0xFFFFF000  }
0x116: {  	_ =	swait.ge [sflag:s31], $0x1000  }
0x117: {  	[sflag:s31] =	ssyncset.done $0x0  }
0x118: {  	s14 =	simm.s32 $0x1C980;
	[sflag:s31] =	ssyncadd.s32 $0xFFFFF000  }
0x119: {  	v0 =	vld [tilespmem:s14+$0x70]  }
0x11a: {  	v1 =	vld [tilespmem:s14+$0xFFFFFF90]  }
0x11b: {  	v2 =	vld [tilespmem:s14+$0xFFFFFFA0]  }
0x11c: {  	v3 =	vld [tilespmem:s14+$0xFFFFFFB0]  }
0x11d: {  	v4 =	vld [tilespmem:s14+$0xFFFFFFC0]  }
0x11e: {  	v5 =	vld [tilespmem:s14+$0xFFFFFFD0]  }
0x11f: {  	v6 =	vld [tilespmem:s14+$0xFFFFFFE0]  }
0x120: {  	v7 =	vld [tilespmem:s14+$0xFFFFFFF0]  }
0x121: {  	v8 =	vld [tilespmem:s14+$0x0]  }
0x122: {  	v9 =	vld [tilespmem:s14+$0x10]  }
0x123: {  	v10 =	vld [tilespmem:s14+$0x20]  }
0x124: {  	v11 =	vld [tilespmem:s14+$0x30]  }
0x125: {  	v12 =	vld [tilespmem:s14+$0x40]  }
0x126: {  	v13 =	vld [tilespmem:s14+$0x50]  }
0x127: {  	v14 =	vld [tilespmem:s14+$0x60]  }
0x128: {  	v15 =	vld [tilespmem:s14+$0xFFFFFF80]  }
0x129: {  	v0 =	vld.idx.msk [tilespmem:v0+s20+$0x0], $0xffff  }
0x12a: {  	v1 =	vld.idx.msk [tilespmem:v1+s20+$0x0], $0xffff  }
0x12b: {  	v2 =	vld.idx.msk [tilespmem:v2+s20+$0x0], $0xffff  }
0x12c: {  	v3 =	vld.idx.msk [tilespmem:v3+s20+$0x0], $0xffff  }
0x12d: {  	v4 =	vld.idx.msk [tilespmem:v4+s20+$0x0], $0xffff  }
0x12e: {  	s8 =	simm.s32 $0x1E980;
	v5 =	vld.idx.msk [tilespmem:v5+s20+$0x0], $0xffff  }
0x12f: {  	v6 =	vld.idx.msk [tilespmem:v6+s20+$0x0], $0xffff;
	[tilespmem:s8+$0x70] =	vst v0  }
0x130: {  	v7 =	vld.idx.msk [tilespmem:v7+s20+$0x0], $0xffff;
	[tilespmem:s8+$0xFFFFFF90] =	vst v1  }
0x131: {  	v15 =	vld.idx.msk [tilespmem:v15+s20+$0x0], $0xffff;
	[tilespmem:s8+$0xFFFFFFA0] =	vst v2  }
0x132: {  	v8 =	vld.idx.msk [tilespmem:v8+s20+$0x0], $0xffff;
	[tilespmem:s8+$0xFFFFFFB0] =	vst v3  }
0x133: {  	[tilespmem:s8+$0xFFFFFFC0] =	vst v4;
	v0 =	vld.idx.msk [tilespmem:v9+s20+$0x0], $0xffff  }
0x134: {  	[tilespmem:s8+$0xFFFFFFD0] =	vst v5;
	v1 =	vld.idx.msk [tilespmem:v10+s20+$0x0], $0xffff  }
0x135: {  	[tilespmem:s8+$0xFFFFFFE0] =	vst v6;
	v2 =	vld.idx.msk [tilespmem:v11+s20+$0x0], $0xffff  }
0x136: {  	[tilespmem:s8+$0xFFFFFFF0] =	vst v7;
	v3 =	vld.idx.msk [tilespmem:v12+s20+$0x0], $0xffff  }
0x137: {  	[tilespmem:s8+$0xFFFFFF80] =	vst v15;
	v4 =	vld.idx.msk [tilespmem:v13+s20+$0x0], $0xffff  }
0x138: {  	s11 =	simm.s32 $0x0;
	s14 =	simm.s32 $0x1CA80;
	[tilespmem:s8+$0x0] =	vst v8;
	v5 =	vld.idx.msk [tilespmem:v14+s20+$0x0], $0xffff  }
.LBB2_9:
0x139: {  	v6 =	vld [tilespmem:s14+$0x70];
	s11 =	sadd.s32 $0x10, s11;
	[tilespmem:s8+$0x10] =	vst v0  }
0x13a: {  	v0 =	vld [tilespmem:s14+$0xFFFFFF90];
	p1 =	slt.u32 s11, $0xF0;
	[tilespmem:s8+$0x20] =	vst v1  }
0x13b: {  	v1 =	vld [tilespmem:s14+$0xFFFFFFA0];
	[tilespmem:s8+$0x30] =	vst v2  }
0x13c: {  	v2 =	vld [tilespmem:s14+$0xFFFFFFB0];
	[tilespmem:s8+$0x40] =	vst v3  }
0x13d: {  	v3 =	vld [tilespmem:s14+$0xFFFFFFC0];
	[tilespmem:s8+$0x50] =	vst v4  }
0x13e: {  	v4 =	vld [tilespmem:s14+$0xFFFFFFD0];
	[tilespmem:s8+$0x60] =	vst v5  }
0x13f: {  	v5 =	vld [tilespmem:s14+$0xFFFFFFE0]  }
0x140: {  	v7 =	vld [tilespmem:s14+$0xFFFFFFF0]  }
0x141: {  	v6 =	vld.idx.msk [tilespmem:v6+s20+$0x0], $0xffff  }
0x142: {  	v8 =	vld [tilespmem:s14+$0x0]  }
0x143: {  	v9 =	vld [tilespmem:s14+$0x10]  }
0x144: {  	v10 =	vld [tilespmem:s14+$0x20]  }
0x145: {  	v11 =	vld [tilespmem:s14+$0x30]  }
0x146: {  	s8 =	sadd.s32 $0x100, s8;
	v12 =	vld [tilespmem:s14+$0x40]  }
0x147: {  	v13 =	vld [tilespmem:s14+$0x50];
	[tilespmem:s8+$0x70] =	vst v6  }
0x148: {  	v6 =	vld [tilespmem:s14+$0x60]  }
0x149: {  	v14 =	vld [tilespmem:s14+$0xFFFFFF80]  }
0x14a: {  	v0 =	vld.idx.msk [tilespmem:v0+s20+$0x0], $0xffff  }
0x14b: {  	v1 =	vld.idx.msk [tilespmem:v1+s20+$0x0], $0xffff  }
0x14c: {  	v2 =	vld.idx.msk [tilespmem:v2+s20+$0x0], $0xffff  }
0x14d: {  	v3 =	vld.idx.msk [tilespmem:v3+s20+$0x0], $0xffff  }
0x14e: {  	v4 =	vld.idx.msk [tilespmem:v4+s20+$0x0], $0xffff  }
0x14f: {  	v5 =	vld.idx.msk [tilespmem:v5+s20+$0x0], $0xffff  }
0x150: {  	[tilespmem:s8+$0xFFFFFF90] =	vst v0;
	v7 =	vld.idx.msk [tilespmem:v7+s20+$0x0], $0xffff  }
0x151: {  	v14 =	vld.idx.msk [tilespmem:v14+s20+$0x0], $0xffff;
	[tilespmem:s8+$0xFFFFFFA0] =	vst v1  }
0x152: {  	[tilespmem:s8+$0xFFFFFFB0] =	vst v2;
	v8 =	vld.idx.msk [tilespmem:v8+s20+$0x0], $0xffff  }
0x153: {  	[tilespmem:s8+$0xFFFFFFC0] =	vst v3;
	v0 =	vld.idx.msk [tilespmem:v9+s20+$0x0], $0xffff  }
.Ltmp3:
0x154: {  	[tilespmem:s8+$0xFFFFFFD0] =	vst v4;
	v1 =	vld.idx.msk [tilespmem:v10+s20+$0x0], $0xffff;
	(pc) =	sbr.rel @p1 .LBB2_9-.Ltmp3, $4  }
0x155: {  	[tilespmem:s8+$0xFFFFFFE0] =	vst v5;
	v2 =	vld.idx.msk [tilespmem:v11+s20+$0x0], $0xffff  }
0x156: {  	[tilespmem:s8+$0xFFFFFFF0] =	vst v7;
	v3 =	vld.idx.msk [tilespmem:v12+s20+$0x0], $0xffff  }
0x157: {  	[tilespmem:s8+$0xFFFFFF80] =	vst v14;
	v4 =	vld.idx.msk [tilespmem:v13+s20+$0x0], $0xffff  }
0x158: {  	s14 =	sadd.s32 $0x100, s14;
	[tilespmem:s8+$0x0] =	vst v8;
	v5 =	vld.idx.msk [tilespmem:v6+s20+$0x0], $0xffff  }
0x159: {  	[tilespmem:s8+$0x10] =	vst v0  }
0x15a: {  	[tilespmem:s8+$0x20] =	vst v1  }
0x15b: {  	s0 =	sadd.s32 $0x1, s0;
	[tilespmem:s8+$0x30] =	vst v2  }
0x15c: {  	s4 =	smin.u32 s4, $0x2E;
	p1 =	sne.s32 s0, $0x19;
	[tilespmem:s8+$0x40] =	vst v3  }
.Ltmp4:
0x15d: {  	s4 =	sshll.u32 s4, $0xC;
	[tilespmem:s8+$0x50] =	vst v4;
	(pc) =	sbr.rel @p1 .LBB2_6-.Ltmp4, $4  }
0x15e: {  	s6 =	sadd.s32 s6, s10;
	s4 =	sadd.s32 s4, s2;
	[tilespmem:s8+$0x60] =	vst v5  }
0x15f: {  	[hbm4b:s6+s18] =	stream.strided.scatter [tilespmem:s29], [sflag:$0x5], $0x1000, s19, s18, $0x38;
	[tilespmem:$0x1F900] =	vst v63  }
0x160: {  	s4 =	sadd.s32 $0x3000, s4  }
0x161: {  	[tilespmem:s23], [sflag:$0x3] =	stream.linear.gather [spmem:s4], $0x1000, $0x38;
	[tilespmem:$0x1F900] =	vst v63  }
0x162: {  	_ =	swait.ge [sflag:s30], $0x1000  }
0x163: {  	[sflag:s30] =	ssyncset.done $0x0  }
0x164: {  	[sflag:s30] =	ssyncadd.s32 $0xFFFFF000  }
0x165: {  	_ =	swait.ge [sflag:s31], $0x1000  }
0x166: {  	[sflag:s31] =	ssyncset.done $0x0  }
0x167: {  	[sflag:s31] =	ssyncadd.s32 $0xFFFFF000  }
0x168: {  	_ =	swait.ge [sflag:s25], $0x1000  }
0x169: {  	[sflag:s25] =	ssyncset.done $0x0  }
0x16a: {  	[sflag:s25] =	ssyncadd.s32 $0xFFFFF000  }
0x16b: {  	_ =	swait.ge [sflag:s28], $0x1000  }
0x16c: {  	[sflag:s28] =	ssyncset.done $0x0  }
0x16d: {  	s0 =	rddreg [dreg:$0x9];
	[sflag:s28] =	ssyncadd.s32 $0xFFFFF000  }
0x16e: {  	[tilespmem:s20], [sflag:$0x1] =	stream.strided.gather [hbm4b:s0+s18], $0x18700, s19, s18, $0x38;
	[tilespmem:$0x1F900] =	vst v63  }
0x16f: {  	_ = 	snop  }
0x170: {  	[tilespmem:s22], [sflag:$0x2] =	stream.linear.gather [spmem:s2], $0x1000, $0x38;
	[tilespmem:$0x1F900] =	vst v63  }
0x171: {  	_ = 	snop  }
0x172: {  	[tilespmem:s23], [sflag:$0x3] =	stream.linear.gather [spmem:s7], $0x1000, $0x38;
	[tilespmem:$0x1F900] =	vst v63  }
0x173: {  	_ =	swait.ge [sflag:s24], $0x18700  }
0x174: {  	[sflag:s24] =	ssyncset.done $0x0  }
0x175: {  	[sflag:s24] =	ssyncadd.s32 $0xFFFE7900  }
0x176: {  	_ =	swait.ge [sflag:s25], $0x1000  }
0x177: {  	[sflag:s25] =	ssyncset.done $0x0  }
0x178: {  	s14 =	simm.s32 $0x1B980;
	[sflag:s25] =	ssyncadd.s32 $0xFFFFF000  }
0x179: {  	v0 =	vld [tilespmem:s14+$0x70]  }
0x17a: {  	v1 =	vld [tilespmem:s14+$0xFFFFFF90]  }
0x17b: {  	v2 =	vld [tilespmem:s14+$0xFFFFFFA0]  }
0x17c: {  	v3 =	vld [tilespmem:s14+$0xFFFFFFB0]  }
0x17d: {  	v4 =	vld [tilespmem:s14+$0xFFFFFFC0]  }
0x17e: {  	v5 =	vld [tilespmem:s14+$0xFFFFFFD0]  }
0x17f: {  	v6 =	vld [tilespmem:s14+$0xFFFFFFE0]  }
0x180: {  	v7 =	vld [tilespmem:s14+$0xFFFFFFF0]  }
0x181: {  	v8 =	vld [tilespmem:s14+$0x0]  }
0x182: {  	v9 =	vld [tilespmem:s14+$0x10]  }
0x183: {  	v10 =	vld [tilespmem:s14+$0x20]  }
0x184: {  	v11 =	vld [tilespmem:s14+$0x30]  }
0x185: {  	v12 =	vld [tilespmem:s14+$0x40]  }
0x186: {  	v13 =	vld [tilespmem:s14+$0x50]  }
0x187: {  	v14 =	vld [tilespmem:s14+$0x60]  }
0x188: {  	v15 =	vld [tilespmem:s14+$0xFFFFFF80]  }
0x189: {  	v0 =	vld.idx.msk [tilespmem:v0+s20+$0x0], $0xffff  }
0x18a: {  	v1 =	vld.idx.msk [tilespmem:v1+s20+$0x0], $0xffff  }
0x18b: {  	v2 =	vld.idx.msk [tilespmem:v2+s20+$0x0], $0xffff  }
0x18c: {  	v3 =	vld.idx.msk [tilespmem:v3+s20+$0x0], $0xffff  }
0x18d: {  	v4 =	vld.idx.msk [tilespmem:v4+s20+$0x0], $0xffff  }
0x18e: {  	s0 =	simm.s32 $0x1D980;
	v5 =	vld.idx.msk [tilespmem:v5+s20+$0x0], $0xffff  }
0x18f: {  	v6 =	vld.idx.msk [tilespmem:v6+s20+$0x0], $0xffff;
	[tilespmem:s0+$0x70] =	vst v0  }
0x190: {  	v7 =	vld.idx.msk [tilespmem:v7+s20+$0x0], $0xffff;
	[tilespmem:s0+$0xFFFFFF90] =	vst v1  }
0x191: {  	v15 =	vld.idx.msk [tilespmem:v15+s20+$0x0], $0xffff;
	[tilespmem:s0+$0xFFFFFFA0] =	vst v2  }
0x192: {  	v8 =	vld.idx.msk [tilespmem:v8+s20+$0x0], $0xffff;
	[tilespmem:s0+$0xFFFFFFB0] =	vst v3  }
0x193: {  	[tilespmem:s0+$0xFFFFFFC0] =	vst v4;
	v0 =	vld.idx.msk [tilespmem:v9+s20+$0x0], $0xffff  }
0x194: {  	[tilespmem:s0+$0xFFFFFFD0] =	vst v5;
	v1 =	vld.idx.msk [tilespmem:v10+s20+$0x0], $0xffff  }
0x195: {  	[tilespmem:s0+$0xFFFFFFE0] =	vst v6;
	v2 =	vld.idx.msk [tilespmem:v11+s20+$0x0], $0xffff  }
0x196: {  	[tilespmem:s0+$0xFFFFFFF0] =	vst v7;
	v3 =	vld.idx.msk [tilespmem:v12+s20+$0x0], $0xffff  }
0x197: {  	[tilespmem:s0+$0xFFFFFF80] =	vst v15;
	v4 =	vld.idx.msk [tilespmem:v13+s20+$0x0], $0xffff  }
0x198: {  	s4 =	simm.s32 $0x0;
	s6 =	simm.s32 $0x1BA80;
	[tilespmem:s0+$0x0] =	vst v8;
	v5 =	vld.idx.msk [tilespmem:v14+s20+$0x0], $0xffff  }
.LBB2_12:
0x199: {  	v6 =	vld [tilespmem:s6+$0x70];
	s4 =	sadd.s32 $0x10, s4;
	[tilespmem:s0+$0x10] =	vst v0  }
0x19a: {  	v0 =	vld [tilespmem:s6+$0xFFFFFF90];
	p1 =	slt.u32 s4, $0xF0;
	[tilespmem:s0+$0x20] =	vst v1  }
0x19b: {  	v1 =	vld [tilespmem:s6+$0xFFFFFFA0];
	[tilespmem:s0+$0x30] =	vst v2  }
0x19c: {  	v2 =	vld [tilespmem:s6+$0xFFFFFFB0];
	[tilespmem:s0+$0x40] =	vst v3  }
0x19d: {  	v3 =	vld [tilespmem:s6+$0xFFFFFFC0];
	[tilespmem:s0+$0x50] =	vst v4  }
0x19e: {  	v4 =	vld [tilespmem:s6+$0xFFFFFFD0];
	[tilespmem:s0+$0x60] =	vst v5  }
0x19f: {  	v5 =	vld [tilespmem:s6+$0xFFFFFFE0]  }
0x1a0: {  	v7 =	vld [tilespmem:s6+$0xFFFFFFF0]  }
0x1a1: {  	v6 =	vld.idx.msk [tilespmem:v6+s20+$0x0], $0xffff  }
0x1a2: {  	v8 =	vld [tilespmem:s6+$0x0]  }
0x1a3: {  	v9 =	vld [tilespmem:s6+$0x10]  }
0x1a4: {  	v10 =	vld [tilespmem:s6+$0x20]  }
0x1a5: {  	v11 =	vld [tilespmem:s6+$0x30]  }
0x1a6: {  	s0 =	sadd.s32 $0x100, s0;
	v12 =	vld [tilespmem:s6+$0x40]  }
0x1a7: {  	v13 =	vld [tilespmem:s6+$0x50];
	[tilespmem:s0+$0x70] =	vst v6  }
0x1a8: {  	v6 =	vld [tilespmem:s6+$0x60]  }
0x1a9: {  	v14 =	vld [tilespmem:s6+$0xFFFFFF80]  }
0x1aa: {  	v0 =	vld.idx.msk [tilespmem:v0+s20+$0x0], $0xffff  }
0x1ab: {  	v1 =	vld.idx.msk [tilespmem:v1+s20+$0x0], $0xffff  }
0x1ac: {  	v2 =	vld.idx.msk [tilespmem:v2+s20+$0x0], $0xffff  }
0x1ad: {  	v3 =	vld.idx.msk [tilespmem:v3+s20+$0x0], $0xffff  }
0x1ae: {  	v4 =	vld.idx.msk [tilespmem:v4+s20+$0x0], $0xffff  }
0x1af: {  	v5 =	vld.idx.msk [tilespmem:v5+s20+$0x0], $0xffff  }
0x1b0: {  	[tilespmem:s0+$0xFFFFFF90] =	vst v0;
	v7 =	vld.idx.msk [tilespmem:v7+s20+$0x0], $0xffff  }
0x1b1: {  	v14 =	vld.idx.msk [tilespmem:v14+s20+$0x0], $0xffff;
	[tilespmem:s0+$0xFFFFFFA0] =	vst v1  }
0x1b2: {  	[tilespmem:s0+$0xFFFFFFB0] =	vst v2;
	v8 =	vld.idx.msk [tilespmem:v8+s20+$0x0], $0xffff  }
0x1b3: {  	[tilespmem:s0+$0xFFFFFFC0] =	vst v3;
	v0 =	vld.idx.msk [tilespmem:v9+s20+$0x0], $0xffff  }
.Ltmp5:
0x1b4: {  	[tilespmem:s0+$0xFFFFFFD0] =	vst v4;
	v1 =	vld.idx.msk [tilespmem:v10+s20+$0x0], $0xffff;
	(pc) =	sbr.rel @p1 .LBB2_12-.Ltmp5, $4  }
0x1b5: {  	[tilespmem:s0+$0xFFFFFFE0] =	vst v5;
	v2 =	vld.idx.msk [tilespmem:v11+s20+$0x0], $0xffff  }
0x1b6: {  	[tilespmem:s0+$0xFFFFFFF0] =	vst v7;
	v3 =	vld.idx.msk [tilespmem:v12+s20+$0x0], $0xffff  }
0x1b7: {  	[tilespmem:s0+$0xFFFFFF80] =	vst v14;
	v4 =	vld.idx.msk [tilespmem:v13+s20+$0x0], $0xffff  }
0x1b8: {  	s6 =	sadd.s32 $0x100, s6;
	[tilespmem:s0+$0x0] =	vst v8;
	v5 =	vld.idx.msk [tilespmem:v6+s20+$0x0], $0xffff  }
0x1b9: {  	[tilespmem:s0+$0x10] =	vst v0  }
0x1ba: {  	[tilespmem:s0+$0x20] =	vst v1  }
0x1bb: {  	[tilespmem:s0+$0x30] =	vst v2  }
0x1bc: {  	[tilespmem:s0+$0x40] =	vst v3  }
0x1bd: {  	[tilespmem:s0+$0x50] =	vst v4  }
0x1be: {  	[tilespmem:s0+$0x60] =	vst v5  }
0x1bf: {  	[hbm4b:s15+s18] =	stream.strided.scatter [tilespmem:s26], [sflag:$0x4], $0x1000, s19, s18, $0x38;
	[tilespmem:$0x1F900] =	vst v63  }
0x1c0: {  	_ = 	snop  }
0x1c1: {  	[tilespmem:s22], [sflag:$0x2] =	stream.linear.gather [spmem:s9], $0x1000, $0x38;
	[tilespmem:$0x1F900] =	vst v63  }
0x1c2: {  	_ =	swait.ge [sflag:s28], $0x1000  }
0x1c3: {  	[sflag:s28] =	ssyncset.done $0x0  }
0x1c4: {  	s14 =	simm.s32 $0x1C980;
	[sflag:s28] =	ssyncadd.s32 $0xFFFFF000  }
0x1c5: {  	v0 =	vld [tilespmem:s14+$0x70]  }
0x1c6: {  	v1 =	vld [tilespmem:s14+$0xFFFFFF90]  }
0x1c7: {  	v2 =	vld [tilespmem:s14+$0xFFFFFFA0]  }
0x1c8: {  	v3 =	vld [tilespmem:s14+$0xFFFFFFB0]  }
0x1c9: {  	v4 =	vld [tilespmem:s14+$0xFFFFFFC0]  }
0x1ca: {  	v5 =	vld [tilespmem:s14+$0xFFFFFFD0]  }
0x1cb: {  	v6 =	vld [tilespmem:s14+$0xFFFFFFE0]  }
0x1cc: {  	v7 =	vld [tilespmem:s14+$0xFFFFFFF0]  }
0x1cd: {  	v8 =	vld [tilespmem:s14+$0x0]  }
0x1ce: {  	v9 =	vld [tilespmem:s14+$0x10]  }
0x1cf: {  	v10 =	vld [tilespmem:s14+$0x20]  }
0x1d0: {  	v11 =	vld [tilespmem:s14+$0x30]  }
0x1d1: {  	v12 =	vld [tilespmem:s14+$0x40]  }
0x1d2: {  	v13 =	vld [tilespmem:s14+$0x50]  }
0x1d3: {  	v14 =	vld [tilespmem:s14+$0x60]  }
0x1d4: {  	v15 =	vld [tilespmem:s14+$0xFFFFFF80]  }
0x1d5: {  	v0 =	vld.idx.msk [tilespmem:v0+s20+$0x0], $0xffff  }
0x1d6: {  	v1 =	vld.idx.msk [tilespmem:v1+s20+$0x0], $0xffff  }
0x1d7: {  	v2 =	vld.idx.msk [tilespmem:v2+s20+$0x0], $0xffff  }
0x1d8: {  	v3 =	vld.idx.msk [tilespmem:v3+s20+$0x0], $0xffff  }
0x1d9: {  	v4 =	vld.idx.msk [tilespmem:v4+s20+$0x0], $0xffff  }
0x1da: {  	s0 =	simm.s32 $0x1E980;
	v5 =	vld.idx.msk [tilespmem:v5+s20+$0x0], $0xffff  }
0x1db: {  	v6 =	vld.idx.msk [tilespmem:v6+s20+$0x0], $0xffff;
	[tilespmem:s0+$0x70] =	vst v0  }
0x1dc: {  	v7 =	vld.idx.msk [tilespmem:v7+s20+$0x0], $0xffff;
	[tilespmem:s0+$0xFFFFFF90] =	vst v1  }
0x1dd: {  	v15 =	vld.idx.msk [tilespmem:v15+s20+$0x0], $0xffff;
	[tilespmem:s0+$0xFFFFFFA0] =	vst v2  }
0x1de: {  	v8 =	vld.idx.msk [tilespmem:v8+s20+$0x0], $0xffff;
	[tilespmem:s0+$0xFFFFFFB0] =	vst v3  }
0x1df: {  	[tilespmem:s0+$0xFFFFFFC0] =	vst v4;
	v0 =	vld.idx.msk [tilespmem:v9+s20+$0x0], $0xffff  }
0x1e0: {  	[tilespmem:s0+$0xFFFFFFD0] =	vst v5;
	v1 =	vld.idx.msk [tilespmem:v10+s20+$0x0], $0xffff  }
0x1e1: {  	[tilespmem:s0+$0xFFFFFFE0] =	vst v6;
	v2 =	vld.idx.msk [tilespmem:v11+s20+$0x0], $0xffff  }
0x1e2: {  	[tilespmem:s0+$0xFFFFFFF0] =	vst v7;
	v3 =	vld.idx.msk [tilespmem:v12+s20+$0x0], $0xffff  }
0x1e3: {  	[tilespmem:s0+$0xFFFFFF80] =	vst v15;
	v4 =	vld.idx.msk [tilespmem:v13+s20+$0x0], $0xffff  }
0x1e4: {  	s4 =	simm.s32 $0x0;
	s6 =	simm.s32 $0x1CA80;
	[tilespmem:s0+$0x0] =	vst v8;
	v5 =	vld.idx.msk [tilespmem:v14+s20+$0x0], $0xffff  }
.LBB2_14:
0x1e5: {  	v6 =	vld [tilespmem:s6+$0x70];
	s4 =	sadd.s32 $0x10, s4;
	[tilespmem:s0+$0x10] =	vst v0  }
0x1e6: {  	v0 =	vld [tilespmem:s6+$0xFFFFFF90];
	p1 =	slt.u32 s4, $0xF0;
	[tilespmem:s0+$0x20] =	vst v1  }
0x1e7: {  	v1 =	vld [tilespmem:s6+$0xFFFFFFA0];
	[tilespmem:s0+$0x30] =	vst v2  }
0x1e8: {  	v2 =	vld [tilespmem:s6+$0xFFFFFFB0];
	[tilespmem:s0+$0x40] =	vst v3  }
0x1e9: {  	v3 =	vld [tilespmem:s6+$0xFFFFFFC0];
	[tilespmem:s0+$0x50] =	vst v4  }
0x1ea: {  	v4 =	vld [tilespmem:s6+$0xFFFFFFD0];
	[tilespmem:s0+$0x60] =	vst v5  }
0x1eb: {  	v5 =	vld [tilespmem:s6+$0xFFFFFFE0]  }
0x1ec: {  	v7 =	vld [tilespmem:s6+$0xFFFFFFF0]  }
0x1ed: {  	v6 =	vld.idx.msk [tilespmem:v6+s20+$0x0], $0xffff  }
0x1ee: {  	v8 =	vld [tilespmem:s6+$0x0]  }
0x1ef: {  	v9 =	vld [tilespmem:s6+$0x10]  }
0x1f0: {  	v10 =	vld [tilespmem:s6+$0x20]  }
0x1f1: {  	v11 =	vld [tilespmem:s6+$0x30]  }
0x1f2: {  	s0 =	sadd.s32 $0x100, s0;
	v12 =	vld [tilespmem:s6+$0x40]  }
0x1f3: {  	v13 =	vld [tilespmem:s6+$0x50];
	[tilespmem:s0+$0x70] =	vst v6  }
0x1f4: {  	v6 =	vld [tilespmem:s6+$0x60]  }
0x1f5: {  	v14 =	vld [tilespmem:s6+$0xFFFFFF80]  }
0x1f6: {  	v0 =	vld.idx.msk [tilespmem:v0+s20+$0x0], $0xffff  }
0x1f7: {  	v1 =	vld.idx.msk [tilespmem:v1+s20+$0x0], $0xffff  }
0x1f8: {  	v2 =	vld.idx.msk [tilespmem:v2+s20+$0x0], $0xffff  }
0x1f9: {  	v3 =	vld.idx.msk [tilespmem:v3+s20+$0x0], $0xffff  }
0x1fa: {  	v4 =	vld.idx.msk [tilespmem:v4+s20+$0x0], $0xffff  }
0x1fb: {  	v5 =	vld.idx.msk [tilespmem:v5+s20+$0x0], $0xffff  }
0x1fc: {  	[tilespmem:s0+$0xFFFFFF90] =	vst v0;
	v7 =	vld.idx.msk [tilespmem:v7+s20+$0x0], $0xffff  }
0x1fd: {  	v14 =	vld.idx.msk [tilespmem:v14+s20+$0x0], $0xffff;
	[tilespmem:s0+$0xFFFFFFA0] =	vst v1  }
0x1fe: {  	[tilespmem:s0+$0xFFFFFFB0] =	vst v2;
	v8 =	vld.idx.msk [tilespmem:v8+s20+$0x0], $0xffff  }
0x1ff: {  	[tilespmem:s0+$0xFFFFFFC0] =	vst v3;
	v0 =	vld.idx.msk [tilespmem:v9+s20+$0x0], $0xffff  }
.Ltmp6:
0x200: {  	[tilespmem:s0+$0xFFFFFFD0] =	vst v4;
	v1 =	vld.idx.msk [tilespmem:v10+s20+$0x0], $0xffff;
	(pc) =	sbr.rel @p1 .LBB2_14-.Ltmp6, $4  }
0x201: {  	[tilespmem:s0+$0xFFFFFFE0] =	vst v5;
	v2 =	vld.idx.msk [tilespmem:v11+s20+$0x0], $0xffff  }
0x202: {  	[tilespmem:s0+$0xFFFFFFF0] =	vst v7;
	v3 =	vld.idx.msk [tilespmem:v12+s20+$0x0], $0xffff  }
0x203: {  	[tilespmem:s0+$0xFFFFFF80] =	vst v14;
	v4 =	vld.idx.msk [tilespmem:v13+s20+$0x0], $0xffff  }
0x204: {  	s6 =	sadd.s32 $0x100, s6;
	[tilespmem:s0+$0x0] =	vst v8;
	v5 =	vld.idx.msk [tilespmem:v6+s20+$0x0], $0xffff  }
0x205: {  	[tilespmem:s0+$0x10] =	vst v0  }
0x206: {  	[tilespmem:s0+$0x20] =	vst v1  }
0x207: {  	[tilespmem:s0+$0x30] =	vst v2  }
0x208: {  	[tilespmem:s0+$0x40] =	vst v3  }
0x209: {  	[tilespmem:s0+$0x50] =	vst v4  }
0x20a: {  	[tilespmem:s0+$0x60] =	vst v5  }
0x20b: {  	[hbm4b:s16+s18] =	stream.strided.scatter [tilespmem:s29], [sflag:$0x5], $0x1000, s19, s18, $0x38;
	[tilespmem:$0x1F900] =	vst v63  }
0x20c: {  	s0 =	simm.s32 $0x1  }
0x20d: {  	[tilespmem:s23], [sflag:$0x3] =	stream.linear.gather [spmem:s13], $0x1000, $0x38;
	[tilespmem:$0x1F900] =	vst v63  }
.LBB2_16:
0x20e: {  	_ =	swait.ge [sflag:s25], $0x1000  }
0x20f: {  	[sflag:s25] =	ssyncset.done $0x0  }
0x210: {  	[sflag:s25] =	ssyncadd.s32 $0xFFFFF000  }
0x211: {  	_ =	swait.ge [sflag:s30], $0x1000  }
0x212: {  	[sflag:s30] =	ssyncset.done $0x0  }
0x213: {  	s4 =	simm.s32 $0x1B980;
	[sflag:s30] =	ssyncadd.s32 $0xFFFFF000  }
0x214: {  	v0 =	vld [tilespmem:s4+$0x70]  }
0x215: {  	v1 =	vld [tilespmem:s4+$0xFFFFFF90]  }
0x216: {  	v2 =	vld [tilespmem:s4+$0xFFFFFFA0]  }
0x217: {  	v3 =	vld [tilespmem:s4+$0xFFFFFFB0]  }
0x218: {  	v4 =	vld [tilespmem:s4+$0xFFFFFFC0]  }
0x219: {  	v5 =	vld [tilespmem:s4+$0xFFFFFFD0]  }
0x21a: {  	v6 =	vld [tilespmem:s4+$0xFFFFFFE0]  }
0x21b: {  	v7 =	vld [tilespmem:s4+$0xFFFFFFF0]  }
0x21c: {  	v8 =	vld [tilespmem:s4+$0x0]  }
0x21d: {  	v9 =	vld [tilespmem:s4+$0x10]  }
0x21e: {  	v10 =	vld [tilespmem:s4+$0x20]  }
0x21f: {  	v11 =	vld [tilespmem:s4+$0x30]  }
0x220: {  	v12 =	vld [tilespmem:s4+$0x40]  }
0x221: {  	v13 =	vld [tilespmem:s4+$0x50]  }
0x222: {  	v14 =	vld [tilespmem:s4+$0x60]  }
0x223: {  	v15 =	vld [tilespmem:s4+$0xFFFFFF80]  }
0x224: {  	v0 =	vld.idx.msk [tilespmem:v0+s20+$0x0], $0xffff  }
0x225: {  	v1 =	vld.idx.msk [tilespmem:v1+s20+$0x0], $0xffff  }
0x226: {  	v2 =	vld.idx.msk [tilespmem:v2+s20+$0x0], $0xffff  }
0x227: {  	v3 =	vld.idx.msk [tilespmem:v3+s20+$0x0], $0xffff  }
0x228: {  	v4 =	vld.idx.msk [tilespmem:v4+s20+$0x0], $0xffff  }
0x229: {  	s4 =	simm.s32 $0x1D980;
	v5 =	vld.idx.msk [tilespmem:v5+s20+$0x0], $0xffff  }
0x22a: {  	v6 =	vld.idx.msk [tilespmem:v6+s20+$0x0], $0xffff;
	[tilespmem:s4+$0x70] =	vst v0  }
0x22b: {  	v7 =	vld.idx.msk [tilespmem:v7+s20+$0x0], $0xffff;
	[tilespmem:s4+$0xFFFFFF90] =	vst v1  }
0x22c: {  	v15 =	vld.idx.msk [tilespmem:v15+s20+$0x0], $0xffff;
	[tilespmem:s4+$0xFFFFFFA0] =	vst v2  }
0x22d: {  	v8 =	vld.idx.msk [tilespmem:v8+s20+$0x0], $0xffff;
	[tilespmem:s4+$0xFFFFFFB0] =	vst v3  }
0x22e: {  	[tilespmem:s4+$0xFFFFFFC0] =	vst v4;
	v0 =	vld.idx.msk [tilespmem:v9+s20+$0x0], $0xffff  }
0x22f: {  	[tilespmem:s4+$0xFFFFFFD0] =	vst v5;
	v1 =	vld.idx.msk [tilespmem:v10+s20+$0x0], $0xffff  }
0x230: {  	[tilespmem:s4+$0xFFFFFFE0] =	vst v6;
	v2 =	vld.idx.msk [tilespmem:v11+s20+$0x0], $0xffff  }
0x231: {  	[tilespmem:s4+$0xFFFFFFF0] =	vst v7;
	v3 =	vld.idx.msk [tilespmem:v12+s20+$0x0], $0xffff  }
0x232: {  	[tilespmem:s4+$0xFFFFFF80] =	vst v15;
	v4 =	vld.idx.msk [tilespmem:v13+s20+$0x0], $0xffff  }
0x233: {  	s6 =	simm.s32 $0x0;
	s8 =	simm.s32 $0x1BA80;
	[tilespmem:s4+$0x0] =	vst v8;
	v5 =	vld.idx.msk [tilespmem:v14+s20+$0x0], $0xffff  }
.LBB2_17:
0x234: {  	v6 =	vld [tilespmem:s8+$0x70];
	s6 =	sadd.s32 $0x10, s6;
	[tilespmem:s4+$0x10] =	vst v0  }
0x235: {  	v0 =	vld [tilespmem:s8+$0xFFFFFF90];
	p1 =	slt.u32 s6, $0xF0;
	[tilespmem:s4+$0x20] =	vst v1  }
0x236: {  	v1 =	vld [tilespmem:s8+$0xFFFFFFA0];
	[tilespmem:s4+$0x30] =	vst v2  }
0x237: {  	v2 =	vld [tilespmem:s8+$0xFFFFFFB0];
	[tilespmem:s4+$0x40] =	vst v3  }
0x238: {  	v3 =	vld [tilespmem:s8+$0xFFFFFFC0];
	[tilespmem:s4+$0x50] =	vst v4  }
0x239: {  	v4 =	vld [tilespmem:s8+$0xFFFFFFD0];
	[tilespmem:s4+$0x60] =	vst v5  }
0x23a: {  	v5 =	vld [tilespmem:s8+$0xFFFFFFE0]  }
0x23b: {  	v7 =	vld [tilespmem:s8+$0xFFFFFFF0]  }
0x23c: {  	v6 =	vld.idx.msk [tilespmem:v6+s20+$0x0], $0xffff  }
0x23d: {  	v8 =	vld [tilespmem:s8+$0x0]  }
0x23e: {  	v9 =	vld [tilespmem:s8+$0x10]  }
0x23f: {  	v10 =	vld [tilespmem:s8+$0x20]  }
0x240: {  	v11 =	vld [tilespmem:s8+$0x30]  }
0x241: {  	s4 =	sadd.s32 $0x100, s4;
	v12 =	vld [tilespmem:s8+$0x40]  }
0x242: {  	v13 =	vld [tilespmem:s8+$0x50];
	[tilespmem:s4+$0x70] =	vst v6  }
0x243: {  	v6 =	vld [tilespmem:s8+$0x60]  }
0x244: {  	v14 =	vld [tilespmem:s8+$0xFFFFFF80]  }
0x245: {  	v0 =	vld.idx.msk [tilespmem:v0+s20+$0x0], $0xffff  }
0x246: {  	v1 =	vld.idx.msk [tilespmem:v1+s20+$0x0], $0xffff  }
0x247: {  	v2 =	vld.idx.msk [tilespmem:v2+s20+$0x0], $0xffff  }
0x248: {  	v3 =	vld.idx.msk [tilespmem:v3+s20+$0x0], $0xffff  }
0x249: {  	v4 =	vld.idx.msk [tilespmem:v4+s20+$0x0], $0xffff  }
0x24a: {  	v5 =	vld.idx.msk [tilespmem:v5+s20+$0x0], $0xffff  }
0x24b: {  	[tilespmem:s4+$0xFFFFFF90] =	vst v0;
	v7 =	vld.idx.msk [tilespmem:v7+s20+$0x0], $0xffff  }
0x24c: {  	v14 =	vld.idx.msk [tilespmem:v14+s20+$0x0], $0xffff;
	[tilespmem:s4+$0xFFFFFFA0] =	vst v1  }
0x24d: {  	[tilespmem:s4+$0xFFFFFFB0] =	vst v2;
	v8 =	vld.idx.msk [tilespmem:v8+s20+$0x0], $0xffff  }
0x24e: {  	[tilespmem:s4+$0xFFFFFFC0] =	vst v3;
	v0 =	vld.idx.msk [tilespmem:v9+s20+$0x0], $0xffff  }
.Ltmp7:
0x24f: {  	[tilespmem:s4+$0xFFFFFFD0] =	vst v4;
	v1 =	vld.idx.msk [tilespmem:v10+s20+$0x0], $0xffff;
	(pc) =	sbr.rel @p1 .LBB2_17-.Ltmp7, $4  }
0x250: {  	[tilespmem:s4+$0xFFFFFFE0] =	vst v5;
	v2 =	vld.idx.msk [tilespmem:v11+s20+$0x0], $0xffff  }
0x251: {  	[tilespmem:s4+$0xFFFFFFF0] =	vst v7;
	v3 =	vld.idx.msk [tilespmem:v12+s20+$0x0], $0xffff  }
0x252: {  	[tilespmem:s4+$0xFFFFFF80] =	vst v14;
	v4 =	vld.idx.msk [tilespmem:v13+s20+$0x0], $0xffff  }
0x253: {  	s8 =	sadd.s32 $0x100, s8;
	[tilespmem:s4+$0x0] =	vst v8;
	v5 =	vld.idx.msk [tilespmem:v6+s20+$0x0], $0xffff  }
0x254: {  	[tilespmem:s4+$0x10] =	vst v0  }
0x255: {  	[tilespmem:s4+$0x20] =	vst v1  }
0x256: {  	s6 =	sshll.u32 s0, $0x13;
	[tilespmem:s4+$0x30] =	vst v2  }
0x257: {  	s6 =	sor.u32 s12, s6;
	[tilespmem:s4+$0x40] =	vst v3  }
0x258: {  	s6 =	sshrl.u32 s6, $0x3;
	[tilespmem:s4+$0x50] =	vst v4  }
0x259: {  	s8 =	sadd.s32 s1, s6;
	[tilespmem:s4+$0x60] =	vst v5;
	s4 =	sshll.u32 s0, $0x1  }
0x25a: {  	[hbm4b:s8+s18] =	stream.strided.scatter [tilespmem:s26], [sflag:$0x4], $0x1000, s19, s18, $0x38;
	[tilespmem:$0x1F900] =	vst v63  }
0x25b: {  	s11 =	smin.u32 s4, $0x2F  }
0x25c: {  	s8 =	sshll.u32 s11, $0xC  }
0x25d: {  	s8 =	sadd.s32 s8, s2  }
0x25e: {  	s8 =	sadd.s32 $0x2000, s8  }
0x25f: {  	[tilespmem:s22], [sflag:$0x2] =	stream.linear.gather [spmem:s8], $0x1000, $0x38;
	[tilespmem:$0x1F900] =	vst v63  }
0x260: {  	_ =	swait.ge [sflag:s28], $0x1000  }
0x261: {  	[sflag:s28] =	ssyncset.done $0x0  }
0x262: {  	[sflag:s28] =	ssyncadd.s32 $0xFFFFF000  }
0x263: {  	_ =	swait.ge [sflag:s31], $0x1000  }
0x264: {  	[sflag:s31] =	ssyncset.done $0x0  }
0x265: {  	s14 =	simm.s32 $0x1C980;
	[sflag:s31] =	ssyncadd.s32 $0xFFFFF000  }
0x266: {  	v0 =	vld [tilespmem:s14+$0x70]  }
0x267: {  	v1 =	vld [tilespmem:s14+$0xFFFFFF90]  }
0x268: {  	v2 =	vld [tilespmem:s14+$0xFFFFFFA0]  }
0x269: {  	v3 =	vld [tilespmem:s14+$0xFFFFFFB0]  }
0x26a: {  	v4 =	vld [tilespmem:s14+$0xFFFFFFC0]  }
0x26b: {  	v5 =	vld [tilespmem:s14+$0xFFFFFFD0]  }
0x26c: {  	v6 =	vld [tilespmem:s14+$0xFFFFFFE0]  }
0x26d: {  	v7 =	vld [tilespmem:s14+$0xFFFFFFF0]  }
0x26e: {  	v8 =	vld [tilespmem:s14+$0x0]  }
0x26f: {  	v9 =	vld [tilespmem:s14+$0x10]  }
0x270: {  	v10 =	vld [tilespmem:s14+$0x20]  }
0x271: {  	v11 =	vld [tilespmem:s14+$0x30]  }
0x272: {  	v12 =	vld [tilespmem:s14+$0x40]  }
0x273: {  	v13 =	vld [tilespmem:s14+$0x50]  }
0x274: {  	v14 =	vld [tilespmem:s14+$0x60]  }
0x275: {  	v15 =	vld [tilespmem:s14+$0xFFFFFF80]  }
0x276: {  	v0 =	vld.idx.msk [tilespmem:v0+s20+$0x0], $0xffff  }
0x277: {  	v1 =	vld.idx.msk [tilespmem:v1+s20+$0x0], $0xffff  }
0x278: {  	v2 =	vld.idx.msk [tilespmem:v2+s20+$0x0], $0xffff  }
0x279: {  	v3 =	vld.idx.msk [tilespmem:v3+s20+$0x0], $0xffff  }
0x27a: {  	v4 =	vld.idx.msk [tilespmem:v4+s20+$0x0], $0xffff  }
0x27b: {  	s8 =	simm.s32 $0x1E980;
	v5 =	vld.idx.msk [tilespmem:v5+s20+$0x0], $0xffff  }
0x27c: {  	v6 =	vld.idx.msk [tilespmem:v6+s20+$0x0], $0xffff;
	[tilespmem:s8+$0x70] =	vst v0  }
0x27d: {  	v7 =	vld.idx.msk [tilespmem:v7+s20+$0x0], $0xffff;
	[tilespmem:s8+$0xFFFFFF90] =	vst v1  }
0x27e: {  	v15 =	vld.idx.msk [tilespmem:v15+s20+$0x0], $0xffff;
	[tilespmem:s8+$0xFFFFFFA0] =	vst v2  }
0x27f: {  	v8 =	vld.idx.msk [tilespmem:v8+s20+$0x0], $0xffff;
	[tilespmem:s8+$0xFFFFFFB0] =	vst v3  }
0x280: {  	[tilespmem:s8+$0xFFFFFFC0] =	vst v4;
	v0 =	vld.idx.msk [tilespmem:v9+s20+$0x0], $0xffff  }
0x281: {  	[tilespmem:s8+$0xFFFFFFD0] =	vst v5;
	v1 =	vld.idx.msk [tilespmem:v10+s20+$0x0], $0xffff  }
0x282: {  	[tilespmem:s8+$0xFFFFFFE0] =	vst v6;
	v2 =	vld.idx.msk [tilespmem:v11+s20+$0x0], $0xffff  }
0x283: {  	[tilespmem:s8+$0xFFFFFFF0] =	vst v7;
	v3 =	vld.idx.msk [tilespmem:v12+s20+$0x0], $0xffff  }
0x284: {  	[tilespmem:s8+$0xFFFFFF80] =	vst v15;
	v4 =	vld.idx.msk [tilespmem:v13+s20+$0x0], $0xffff  }
0x285: {  	s11 =	simm.s32 $0x0;
	s14 =	simm.s32 $0x1CA80;
	[tilespmem:s8+$0x0] =	vst v8;
	v5 =	vld.idx.msk [tilespmem:v14+s20+$0x0], $0xffff  }
.LBB2_19:
0x286: {  	v6 =	vld [tilespmem:s14+$0x70];
	s11 =	sadd.s32 $0x10, s11;
	[tilespmem:s8+$0x10] =	vst v0  }
0x287: {  	v0 =	vld [tilespmem:s14+$0xFFFFFF90];
	p1 =	slt.u32 s11, $0xF0;
	[tilespmem:s8+$0x20] =	vst v1  }
0x288: {  	v1 =	vld [tilespmem:s14+$0xFFFFFFA0];
	[tilespmem:s8+$0x30] =	vst v2  }
0x289: {  	v2 =	vld [tilespmem:s14+$0xFFFFFFB0];
	[tilespmem:s8+$0x40] =	vst v3  }
0x28a: {  	v3 =	vld [tilespmem:s14+$0xFFFFFFC0];
	[tilespmem:s8+$0x50] =	vst v4  }
0x28b: {  	v4 =	vld [tilespmem:s14+$0xFFFFFFD0];
	[tilespmem:s8+$0x60] =	vst v5  }
0x28c: {  	v5 =	vld [tilespmem:s14+$0xFFFFFFE0]  }
0x28d: {  	v7 =	vld [tilespmem:s14+$0xFFFFFFF0]  }
0x28e: {  	v6 =	vld.idx.msk [tilespmem:v6+s20+$0x0], $0xffff  }
0x28f: {  	v8 =	vld [tilespmem:s14+$0x0]  }
0x290: {  	v9 =	vld [tilespmem:s14+$0x10]  }
0x291: {  	v10 =	vld [tilespmem:s14+$0x20]  }
0x292: {  	v11 =	vld [tilespmem:s14+$0x30]  }
0x293: {  	s8 =	sadd.s32 $0x100, s8;
	v12 =	vld [tilespmem:s14+$0x40]  }
0x294: {  	v13 =	vld [tilespmem:s14+$0x50];
	[tilespmem:s8+$0x70] =	vst v6  }
0x295: {  	v6 =	vld [tilespmem:s14+$0x60]  }
0x296: {  	v14 =	vld [tilespmem:s14+$0xFFFFFF80]  }
0x297: {  	v0 =	vld.idx.msk [tilespmem:v0+s20+$0x0], $0xffff  }
0x298: {  	v1 =	vld.idx.msk [tilespmem:v1+s20+$0x0], $0xffff  }
0x299: {  	v2 =	vld.idx.msk [tilespmem:v2+s20+$0x0], $0xffff  }
0x29a: {  	v3 =	vld.idx.msk [tilespmem:v3+s20+$0x0], $0xffff  }
0x29b: {  	v4 =	vld.idx.msk [tilespmem:v4+s20+$0x0], $0xffff  }
0x29c: {  	v5 =	vld.idx.msk [tilespmem:v5+s20+$0x0], $0xffff  }
0x29d: {  	[tilespmem:s8+$0xFFFFFF90] =	vst v0;
	v7 =	vld.idx.msk [tilespmem:v7+s20+$0x0], $0xffff  }
0x29e: {  	v14 =	vld.idx.msk [tilespmem:v14+s20+$0x0], $0xffff;
	[tilespmem:s8+$0xFFFFFFA0] =	vst v1  }
0x29f: {  	[tilespmem:s8+$0xFFFFFFB0] =	vst v2;
	v8 =	vld.idx.msk [tilespmem:v8+s20+$0x0], $0xffff  }
0x2a0: {  	[tilespmem:s8+$0xFFFFFFC0] =	vst v3;
	v0 =	vld.idx.msk [tilespmem:v9+s20+$0x0], $0xffff  }
.Ltmp8:
0x2a1: {  	[tilespmem:s8+$0xFFFFFFD0] =	vst v4;
	v1 =	vld.idx.msk [tilespmem:v10+s20+$0x0], $0xffff;
	(pc) =	sbr.rel @p1 .LBB2_19-.Ltmp8, $4  }
0x2a2: {  	[tilespmem:s8+$0xFFFFFFE0] =	vst v5;
	v2 =	vld.idx.msk [tilespmem:v11+s20+$0x0], $0xffff  }
0x2a3: {  	[tilespmem:s8+$0xFFFFFFF0] =	vst v7;
	v3 =	vld.idx.msk [tilespmem:v12+s20+$0x0], $0xffff  }
0x2a4: {  	[tilespmem:s8+$0xFFFFFF80] =	vst v14;
	v4 =	vld.idx.msk [tilespmem:v13+s20+$0x0], $0xffff  }
0x2a5: {  	s14 =	sadd.s32 $0x100, s14;
	[tilespmem:s8+$0x0] =	vst v8;
	v5 =	vld.idx.msk [tilespmem:v6+s20+$0x0], $0xffff  }
0x2a6: {  	[tilespmem:s8+$0x10] =	vst v0  }
0x2a7: {  	[tilespmem:s8+$0x20] =	vst v1  }
0x2a8: {  	s0 =	sadd.s32 $0x1, s0;
	[tilespmem:s8+$0x30] =	vst v2  }
0x2a9: {  	s4 =	smin.u32 s4, $0x2E;
	p1 =	sne.s32 s0, $0x19;
	[tilespmem:s8+$0x40] =	vst v3  }
.Ltmp9:
0x2aa: {  	s6 =	sor.u32 $0x8000, s6;
	s4 =	sshll.u32 s4, $0xC;
	[tilespmem:s8+$0x50] =	vst v4;
	(pc) =	sbr.rel @p1 .LBB2_16-.Ltmp9, $4  }
0x2ab: {  	s6 =	sadd.s32 s1, s6;
	s4 =	sadd.s32 s4, s2;
	[tilespmem:s8+$0x60] =	vst v5  }
0x2ac: {  	[hbm4b:s6+s18] =	stream.strided.scatter [tilespmem:s29], [sflag:$0x5], $0x1000, s19, s18, $0x38;
	[tilespmem:$0x1F900] =	vst v63  }
0x2ad: {  	s4 =	sadd.s32 $0x3000, s4  }
0x2ae: {  	[tilespmem:s23], [sflag:$0x3] =	stream.linear.gather [spmem:s4], $0x1000, $0x38;
	[tilespmem:$0x1F900] =	vst v63  }
0x2af: {  	_ =	swait.ge [sflag:s30], $0x1000  }
0x2b0: {  	[sflag:s30] =	ssyncset.done $0x0  }
0x2b1: {  	[sflag:s30] =	ssyncadd.s32 $0xFFFFF000  }
0x2b2: {  	_ =	swait.ge [sflag:s31], $0x1000  }
0x2b3: {  	[sflag:s31] =	ssyncset.done $0x0  }
0x2b4: {  	s3 =	sadd.s32 $0x1, s3;
	[sflag:s31] =	ssyncadd.s32 $0xFFFFF000  }
0x2b5: {  	p1 =	sne.s32 s3, s17;
	_ =	swait.ge [sflag:s25], $0x1000  }
.Ltmp10:
0x2b6: {  	[sflag:s25] =	ssyncset.done $0x0;
	(pc) =	sbr.rel @p1 .LBB2_1-.Ltmp10, $4  }
0x2b7: {  	[sflag:s25] =	ssyncadd.s32 $0xFFFFF000  }
0x2b8: {  	_ =	swait.ge [sflag:s28], $0x1000  }
0x2b9: {  	[sflag:s28] =	ssyncset.done $0x0  }
0x2ba: {  	[sflag:s28] =	ssyncadd.s32 $0xFFFFF000  }
0x2bb: {  	_ =	sfence.sel $0x180000  }
0x2bc: {  	[bflag:$0x0] =	sbarrier.arrive $0xFFFF  }
0x2bd: {  	_ =	strace $0x90000047  }
0x2be: {  	[bflag:$0x2] =	sbarrier.arrive $0xFFFF  }
0x2bf: {  	s0 =	rddreg [dreg:$0x4]  }
0x2c0: {  	s0 =	sadd.s32 @!p0 $0x100000, s0  }
0x2c1: {  	[sflag:s0] =	ssyncadd.tile.s32 @!p0 $0x1;
	_ =	shalt  }
.Lfunc_end2:
_tile_overlayer_lowered:
.L_overlay_start_2:
0x2c2: {  	(tag) =	ssettag $0x2  }
0x2c3: {  	s0 =	rddreg [dreg:$0x0];
	s2 =	stileid.u32  }
0x2c4: {  	s1 =	rddreg [dreg:$0x1];
	p0 =	sne.s32 s2, $0x0  }
0x2c5: {  	s3 =	rddreg [dreg:$0x2];
	[bflag:$0x3] =	sbarrier.arrive $0xFFFF;
	s2 =	simm.s32 @!p0 $0x1C06  }
0x2c6: {  	[timem:s3], [sflag:s2] =	dma.local @!p0 [hbm:s0], s1  }
0x2c7: {  	s0 =	simm.s32 @!p0 $0x6  }
0x2c8: {  	_ =	swait.ge @!p0 [sflag:s0], s1  }
0x2c9: {  	s1 =	ssub.s32 @!p0 $0x0, s1;
	[sflag:s0] =	ssyncset.done @!p0 $0x0  }
0x2ca: {  	[sflag:s0] =	ssyncadd.s32 @!p0 s1  }
0x2cb: {  	[bflag:$0x3] =	sbarrier.arrive $0xFFFF  }
0x2cc: {  	_ =	shalt  }

</sc_bundles>
